<compile_context>
chip_gen: v7x
topology: tpu7x:2x2x1
jax: 0.10.2.dev20260603
libtpu: 0.0.44.dev20260713+nightly
codegen_flags: <defaults>
</compile_context>

<pallas_src>
import jax
import jax.numpy as jnp
from jax import lax
from jax.experimental import pallas as pl
from jax.experimental.pallas import tpu as pltpu
from jax.experimental.pallas import tpu_sc as plsc

N_NODES = 10000
D_FEAT = 128
N_BLOCKS = 500
N_BLOCKS_PAD = 512
N_GRAPHS = 16

IDXW = 128
GROUPS_PER_SUB = 5
ROWS_PER_SUB = IDXW * GROUPS_PER_SUB
VALID_LAST = N_NODES - 15 * ROWS_PER_SUB

D_HALF = D_FEAT // 2



def _sc_body(h0_hbm, bid_hbm, blk_out,
             rows_v, idxb_v, zero_v, blk_acc, sems, sem_i):
    c = lax.axis_index("c")
    s = lax.axis_index("s")
    col0 = c * D_HALF
    r0 = s * ROWS_PER_SUB

    @pl.when(s < 15)
    def _():
        for j in range(GROUPS_PER_SUB):
            pltpu.async_copy(bid_hbm.at[pl.ds(r0 + IDXW * j, IDXW)],
                             idxb_v.at[j], sem_i)
        for j in range(GROUPS_PER_SUB):
            pltpu.async_copy(
                h0_hbm.at[pl.ds(r0 + IDXW * j, IDXW), pl.ds(col0, D_HALF)],
                rows_v.at[pl.ds(IDXW * j, IDXW)], sems.at[j])

    @pl.when(s == 15)
    def _():
        nt = VALID_LAST - IDXW * 3
        for j in range(3):
            pltpu.async_copy(bid_hbm.at[pl.ds(r0 + IDXW * j, IDXW)],
                             idxb_v.at[j], sem_i)
        pltpu.async_copy(bid_hbm.at[pl.ds(r0 + IDXW * 3, nt)],
                         idxb_v.at[3, pl.ds(0, nt)], sem_i)
        for j in range(3):
            pltpu.async_copy(
                h0_hbm.at[pl.ds(r0 + IDXW * j, IDXW), pl.ds(col0, D_HALF)],
                rows_v.at[pl.ds(IDXW * j, IDXW)], sems.at[j])
        pltpu.async_copy(h0_hbm.at[pl.ds(r0 + IDXW * 3, nt),
                                   pl.ds(col0, D_HALF)],
                         rows_v.at[pl.ds(IDXW * 3, nt)], sems.at[3])

    z16 = jnp.zeros((16,), jnp.float32)
    for i in range(32):
        for j in range(4):
            zero_v[i, pl.ds(16 * j, 16)] = z16

    @pl.when(s == 15)
    def _():
        dump = jnp.full((16,), N_BLOCKS_PAD - 1, jnp.int32)
        for k in range(1, 8):
            idxb_v[3, pl.ds(16 * k, 16)] = dump
        for k in range(8):
            idxb_v[4, pl.ds(16 * k, 16)] = dump

    pltpu.sync_copy(zero_v, blk_acc.at[pl.ds(s * 32, 32)])

    plsc.subcore_barrier()

    @pl.when(s < 15)
    def _():
        for j in range(GROUPS_PER_SUB):
            pltpu.make_async_copy(bid_hbm.at[pl.ds(r0 + IDXW * j, IDXW)],
                                  idxb_v.at[j], sem_i).wait()

    @pl.when(s == 15)
    def _():
        for j in range(3):
            pltpu.make_async_copy(bid_hbm.at[pl.ds(r0 + IDXW * j, IDXW)],
                                  idxb_v.at[j], sem_i).wait()
        nt = VALID_LAST - IDXW * 3
        pltpu.make_async_copy(bid_hbm.at[pl.ds(r0 + IDXW * 3, nt)],
                              idxb_v.at[3, pl.ds(0, nt)], sem_i).wait()

    descs = []
    for j in range(GROUPS_PER_SUB):
        rows = rows_v.at[pl.ds(IDXW * j, IDXW)]

        @pl.when(jnp.logical_or(s < 15, j <= 2))
        def _(j=j, rows=rows):
            pltpu.make_async_copy(
                h0_hbm.at[pl.ds(r0 + IDXW * j, IDXW), pl.ds(col0, D_HALF)],
                rows, sems.at[j]).wait()

        if j == 3:
            @pl.when(s == 15)
            def _(j=j):
                nt = VALID_LAST - IDXW * 3
                pltpu.make_async_copy(
                    h0_hbm.at[pl.ds(r0 + IDXW * 3, nt), pl.ds(col0, D_HALF)],
                    rows_v.at[pl.ds(IDXW * 3, nt)], sems.at[3]).wait()

        descs.append(pltpu.async_copy(rows, blk_acc.at[idxb_v.at[j]],
                                      sem_i, add=True))
    for d in descs:
        d.wait()

    plsc.subcore_barrier()

    @pl.when(s < 15)
    def _():
        pltpu.sync_copy(blk_acc.at[pl.ds(s * 32, 32)],
                        blk_out.at[pl.ds(s * 32, 32), pl.ds(col0, D_HALF)])

    @pl.when(s == 15)
    def _():
        pltpu.sync_copy(blk_acc.at[pl.ds(480, N_BLOCKS - 480)],
                        blk_out.at[pl.ds(480, N_BLOCKS - 480),
                                   pl.ds(col0, D_HALF)])



def _tc_body(gid_ref, x_ref, out_ref, x_copy_ref):
    ids = gid_ref[...].reshape(N_NODES, 1)
    onehot = (ids == lax.broadcasted_iota(jnp.int32, (1, N_GRAPHS), 1)
              ).astype(jnp.float32)
    out_ref[...] = lax.dot_general(onehot, x_ref[...],
                                   (((0,), (0,)), ((), ())),
                                   precision=lax.Precision.HIGHEST,
                                   preferred_element_type=jnp.float32)
    x_copy_ref[...] = x_ref[...]


@jax.jit
def _encoder_pool(h0, bid, gid, z):
    mesh = plsc.VectorSubcoreMesh(core_axis_name="c", subcore_axis_name="s")
    sc = pl.kernel(
        _sc_body,
        out_type=jax.ShapeDtypeStruct((N_BLOCKS, D_FEAT), jnp.float32),
        mesh=mesh,
        compiler_params=pltpu.CompilerParams(use_tc_tiling_on_sc=False),
        scratch_types=[
            pltpu.VMEM((ROWS_PER_SUB, D_HALF), jnp.float32),
            pltpu.VMEM((GROUPS_PER_SUB, IDXW), jnp.int32),
            pltpu.VMEM((32, D_HALF), jnp.float32),
            pltpu.VMEM_SHARED((N_BLOCKS_PAD, D_HALF), jnp.float32),
            pltpu.SemaphoreType.DMA((GROUPS_PER_SUB,)),
            pltpu.SemaphoreType.DMA,
        ],
    )
    block_repr = sc(h0, bid)

    graph_repr, h0_out = pl.pallas_call(
        _tc_body,
        out_shape=(
            jax.ShapeDtypeStruct((N_GRAPHS, D_FEAT), jnp.float32),
            jax.ShapeDtypeStruct((N_NODES, D_FEAT), jnp.float32),
        ),
    )(gid, h0)

    return block_repr, graph_repr, h0_out, z


def kernel(H_0, Z, block_id, batch_id, edges, edge_attr):
    block_repr, graph_repr, unit_repr, pred_Z = _encoder_pool(
        H_0, block_id.astype(jnp.int32), batch_id.astype(jnp.int32), Z)
    return (unit_repr, block_repr, graph_repr, pred_Z)

# --- scband reference (transcript-rebuilt; emitter-appended) ---
"""Pipeline reference for scband-maceen-encoder-63290638074451 (READ-ONLY COPY).

The authoritative reference and input builder live on the scoring server;
editing this copy changes nothing except your own understanding.
"""

import jax, jax.numpy as jnp
import numpy as np


def setup_inputs(seed: int = 0) -> dict:
    key = jax.random.key(seed)
    k1, k2, k3, k4, k5, k6 = jax.random.split(key, 6)
    n_nodes = 10000
    n_edges = 320000
    d_feat = 128
    d_edge = 16
    n_blocks = 500
    n_graphs = 16
    H_0 = jax.random.normal(k1, (n_nodes, d_feat), dtype=jnp.float32)
    Z = jax.random.normal(k2, (n_nodes, 3), dtype=jnp.float32)
    block_id = jnp.sort(jax.random.randint(k3, (n_nodes,), 0, n_blocks))
    block_id = block_id.at[-1].set(n_blocks - 1)  # pin max so dim_size is deterministic
    batch_id = jnp.sort(jax.random.randint(k4, (n_nodes,), 0, n_graphs))
    batch_id = batch_id.at[-1].set(n_graphs - 1)
    edges = jax.random.randint(k5, (2, n_edges), 0, n_nodes)
    edge_attr = jax.random.normal(k6, (n_edges, d_edge), dtype=jnp.float32)
    return {"H_0": H_0, "Z": Z, "block_id": block_id, "batch_id": batch_id, "edges": edges, "edge_attr": edge_attr}


def reference(H_0, Z, block_id, batch_id, edges, edge_attr):
    # Faithful translation of MACEEnEncoder.forward.
    # Note: the internal ScaleShiftMACEEn encoder output is computed but NEVER used
    # in the returned values in the original module, so the observable computation is:
    #   unit_repr = H_0
    #   block_repr = scatter_sum(H_0, block_id, dim=0, dim_size=n_blocks)
    #   graph_repr = scatter_sum(H_0, batch_id, dim=0, dim_size=n_graphs)
    #   pred_Z = Z
    unit_repr = H_0
    n_blocks = 500 if block_id.shape[0] > 0 else 1
    block_repr = jax.ops.segment_sum(H_0, block_id, num_segments=n_blocks)
    n_graphs = 16 if batch_id.shape[0] > 0 else 1
    graph_repr = jax.ops.segment_sum(H_0, batch_id, num_segments=n_graphs)
    pred_Z = Z
    return (unit_repr, block_repr, graph_repr, pred_Z)

if __name__ == "__main__":
    import jax
    _d = setup_inputs()
    print(jax.jit(kernel)(*tuple(_d.values())))

</pallas_src>

<mosaic_0001>
#map = affine_map<(d0, d1) -> (0, 0)>
#map1 = affine_map<(d0, d1) -> (0)>
module attributes {stable_mosaic.version = 14 : i64} {
  func.func @_sc_body(%arg0: i32, %arg1: i32, %arg2: memref<10000x128xf32, #tpu.memory_space<hbm>>, %arg3: memref<10000xi32, #tpu.memory_space<hbm>>, %arg4: memref<500x128xf32, #tpu.memory_space<hbm>>, %arg5: memref<640x64xf32, #tpu.memory_space<vmem>>, %arg6: memref<5x128xi32, #tpu.memory_space<vmem>>, %arg7: memref<32x64xf32, #tpu.memory_space<vmem>>, %arg8: memref<512x64xf32, #tpu.memory_space<vmem_shared>>, %arg9: memref<5x!tpu.dma_semaphore, #tpu.memory_space<semaphore_mem>>, %arg10: memref<!tpu.dma_semaphore, #tpu.memory_space<semaphore_mem>>) attributes {dimension_semantics = [#tpu.dimension_semantics<core_parallel>, #tpu.dimension_semantics<subcore_parallel>], iteration_bounds = array<i64: 2, 16>, scalar_prefetch = 0 : i64, scratch_operands = 6 : i64, tpu.core_type = #tpu.core_type<sc_vector_subcore>, window_params = [{transform_indices = #map}, {transform_indices = #map1}, {transform_indices = #map}]} {
    %mul3A = arith.constant 64 : i32
    %mul3A_0 = arith.muli %arg0, %mul3A : i32
    %mul3A_1 = arith.constant 640 : i32
    %mul3A_2 = arith.muli %arg1, %mul3A_1 : i32
    %lt3A = arith.constant 15 : i32
    %lt3A_3 = arith.cmpi slt, %arg1, %lt3A : i32
    %convert_element_type3A = arith.extui %lt3A_3 : i1 to i32
    %cond3A = arith.constant 0 : i32
    %cond3A_4 = arith.cmpi ne, %convert_element_type3A, %cond3A : i32
    scf.if %cond3A_4 {
      %add3A = arith.constant 0 : i32
      %add3A_942 = arith.addi %mul3A_2, %add3A : i32
      %dma_start3A_943 = arith.constant 0 : i32
      %dma_start3A_944 = arith.constant 0 : i32
      %dma_start3A_945 = tpu.memref_slice %arg6[%dma_start3A_943, %dma_start3A_944] : memref<5x128xi32, #tpu.memory_space<vmem>> -> memref<1x128xi32, #tpu.memory_space<vmem>>
      %dma_start3A_946 = tpu.memref_squeeze %dma_start3A_945 : memref<1x128xi32, #tpu.memory_space<vmem>> -> memref<128xi32, #tpu.memory_space<vmem>>
      %dma_start3A_947 = tpu.memref_slice %arg3[%add3A_942] : memref<10000xi32, #tpu.memory_space<hbm>> -> memref<128xi32, #tpu.memory_space<hbm>>
      %dma_start3A_948 = arith.constant 0 : i32
      %dma_start3A_949 = tpu.memref_slice %arg6[%dma_start3A_943, %dma_start3A_948] : memref<5x128xi32, #tpu.memory_space<vmem>> -> memref<1x128xi32, #tpu.memory_space<vmem>>
      %dma_start3A_950 = tpu.memref_squeeze %dma_start3A_949 : memref<1x128xi32, #tpu.memory_space<vmem>> -> memref<128xi32, #tpu.memory_space<vmem>>
      %dma_start3A_951 = tpu.memref_slice %arg3[%add3A_942] : memref<10000xi32, #tpu.memory_space<hbm>> -> memref<128xi32, #tpu.memory_space<hbm>>
      tpu.enqueue_dma source(%dma_start3A_951 : memref<128xi32, #tpu.memory_space<hbm>>) target(%dma_start3A_950 : memref<128xi32, #tpu.memory_space<vmem>>) target_semaphore(%arg10 : memref<!tpu.dma_semaphore, #tpu.memory_space<semaphore_mem>>)
      %add3A_952 = arith.constant 128 : i32
      %add3A_953 = arith.addi %mul3A_2, %add3A_952 : i32
      %dma_start3A_954 = arith.constant 1 : i32
      %dma_start3A_955 = arith.constant 0 : i32
      %dma_start3A_956 = tpu.memref_slice %arg6[%dma_start3A_954, %dma_start3A_955] : memref<5x128xi32, #tpu.memory_space<vmem>> -> memref<1x128xi32, #tpu.memory_space<vmem>>
      %dma_start3A_957 = tpu.memref_squeeze %dma_start3A_956 : memref<1x128xi32, #tpu.memory_space<vmem>> -> memref<128xi32, #tpu.memory_space<vmem>>
      %dma_start3A_958 = tpu.memref_slice %arg3[%add3A_953] : memref<10000xi32, #tpu.memory_space<hbm>> -> memref<128xi32, #tpu.memory_space<hbm>>
      %dma_start3A_959 = arith.constant 0 : i32
      %dma_start3A_960 = tpu.memref_slice %arg6[%dma_start3A_954, %dma_start3A_959] : memref<5x128xi32, #tpu.memory_space<vmem>> -> memref<1x128xi32, #tpu.memory_space<vmem>>
      %dma_start3A_961 = tpu.memref_squeeze %dma_start3A_960 : memref<1x128xi32, #tpu.memory_space<vmem>> -> memref<128xi32, #tpu.memory_space<vmem>>
      %dma_start3A_962 = tpu.memref_slice %arg3[%add3A_953] : memref<10000xi32, #tpu.memory_space<hbm>> -> memref<128xi32, #tpu.memory_space<hbm>>
      tpu.enqueue_dma source(%dma_start3A_962 : memref<128xi32, #tpu.memory_space<hbm>>) target(%dma_start3A_961 : memref<128xi32, #tpu.memory_space<vmem>>) target_semaphore(%arg10 : memref<!tpu.dma_semaphore, #tpu.memory_space<semaphore_mem>>)
      %add3A_963 = arith.constant 256 : i32
      %add3A_964 = arith.addi %mul3A_2, %add3A_963 : i32
      %dma_start3A_965 = arith.constant 2 : i32
      %dma_start3A_966 = arith.constant 0 : i32
      %dma_start3A_967 = tpu.memref_slice %arg6[%dma_start3A_965, %dma_start3A_966] : memref<5x128xi32, #tpu.memory_space<vmem>> -> memref<1x128xi32, #tpu.memory_space<vmem>>
      %dma_start3A_968 = tpu.memref_squeeze %dma_start3A_967 : memref<1x128xi32, #tpu.memory_space<vmem>> -> memref<128xi32, #tpu.memory_space<vmem>>
      %dma_start3A_969 = tpu.memref_slice %arg3[%add3A_964] : memref<10000xi32, #tpu.memory_space<hbm>> -> memref<128xi32, #tpu.memory_space<hbm>>
      %dma_start3A_970 = arith.constant 0 : i32
      %dma_start3A_971 = tpu.memref_slice %arg6[%dma_start3A_965, %dma_start3A_970] : memref<5x128xi32, #tpu.memory_space<vmem>> -> memref<1x128xi32, #tpu.memory_space<vmem>>
      %dma_start3A_972 = tpu.memref_squeeze %dma_start3A_971 : memref<1x128xi32, #tpu.memory_space<vmem>> -> memref<128xi32, #tpu.memory_space<vmem>>
      %dma_start3A_973 = tpu.memref_slice %arg3[%add3A_964] : memref<10000xi32, #tpu.memory_space<hbm>> -> memref<128xi32, #tpu.memory_space<hbm>>
      tpu.enqueue_dma source(%dma_start3A_973 : memref<128xi32, #tpu.memory_space<hbm>>) target(%dma_start3A_972 : memref<128xi32, #tpu.memory_space<vmem>>) target_semaphore(%arg10 : memref<!tpu.dma_semaphore, #tpu.memory_space<semaphore_mem>>)
      %add3A_974 = arith.constant 384 : i32
      %add3A_975 = arith.addi %mul3A_2, %add3A_974 : i32
      %dma_start3A_976 = arith.constant 3 : i32
      %dma_start3A_977 = arith.constant 0 : i32
      %dma_start3A_978 = tpu.memref_slice %arg6[%dma_start3A_976, %dma_start3A_977] : memref<5x128xi32, #tpu.memory_space<vmem>> -> memref<1x128xi32, #tpu.memory_space<vmem>>
      %dma_start3A_979 = tpu.memref_squeeze %dma_start3A_978 : memref<1x128xi32, #tpu.memory_space<vmem>> -> memref<128xi32, #tpu.memory_space<vmem>>
      %dma_start3A_980 = tpu.memref_slice %arg3[%add3A_975] : memref<10000xi32, #tpu.memory_space<hbm>> -> memref<128xi32, #tpu.memory_space<hbm>>
      %dma_start3A_981 = arith.constant 0 : i32
      %dma_start3A_982 = tpu.memref_slice %arg6[%dma_start3A_976, %dma_start3A_981] : memref<5x128xi32, #tpu.memory_space<vmem>> -> memref<1x128xi32, #tpu.memory_space<vmem>>
      %dma_start3A_983 = tpu.memref_squeeze %dma_start3A_982 : memref<1x128xi32, #tpu.memory_space<vmem>> -> memref<128xi32, #tpu.memory_space<vmem>>
      %dma_start3A_984 = tpu.memref_slice %arg3[%add3A_975] : memref<10000xi32, #tpu.memory_space<hbm>> -> memref<128xi32, #tpu.memory_space<hbm>>
      tpu.enqueue_dma source(%dma_start3A_984 : memref<128xi32, #tpu.memory_space<hbm>>) target(%dma_start3A_983 : memref<128xi32, #tpu.memory_space<vmem>>) target_semaphore(%arg10 : memref<!tpu.dma_semaphore, #tpu.memory_space<semaphore_mem>>)
      %add3A_985 = arith.constant 512 : i32
      %add3A_986 = arith.addi %mul3A_2, %add3A_985 : i32
      %dma_start3A_987 = arith.constant 4 : i32
      %dma_start3A_988 = arith.constant 0 : i32
      %dma_start3A_989 = tpu.memref_slice %arg6[%dma_start3A_987, %dma_start3A_988] : memref<5x128xi32, #tpu.memory_space<vmem>> -> memref<1x128xi32, #tpu.memory_space<vmem>>
      %dma_start3A_990 = tpu.memref_squeeze %dma_start3A_989 : memref<1x128xi32, #tpu.memory_space<vmem>> -> memref<128xi32, #tpu.memory_space<vmem>>
      %dma_start3A_991 = tpu.memref_slice %arg3[%add3A_986] : memref<10000xi32, #tpu.memory_space<hbm>> -> memref<128xi32, #tpu.memory_space<hbm>>
      %dma_start3A_992 = arith.constant 0 : i32
      %dma_start3A_993 = tpu.memref_slice %arg6[%dma_start3A_987, %dma_start3A_992] : memref<5x128xi32, #tpu.memory_space<vmem>> -> memref<1x128xi32, #tpu.memory_space<vmem>>
      %dma_start3A_994 = tpu.memref_squeeze %dma_start3A_993 : memref<1x128xi32, #tpu.memory_space<vmem>> -> memref<128xi32, #tpu.memory_space<vmem>>
      %dma_start3A_995 = tpu.memref_slice %arg3[%add3A_986] : memref<10000xi32, #tpu.memory_space<hbm>> -> memref<128xi32, #tpu.memory_space<hbm>>
      tpu.enqueue_dma source(%dma_start3A_995 : memref<128xi32, #tpu.memory_space<hbm>>) target(%dma_start3A_994 : memref<128xi32, #tpu.memory_space<vmem>>) target_semaphore(%arg10 : memref<!tpu.dma_semaphore, #tpu.memory_space<semaphore_mem>>)
      %add3A_996 = arith.constant 0 : i32
      %add3A_997 = arith.addi %mul3A_2, %add3A_996 : i32
      %dma_start3A_998 = arith.constant 0 : i32
      %dma_start3A_999 = arith.constant 0 : i32
      %dma_start3A_1000 = arith.constant 0 : i32
      %dma_start3A_1001 = tpu.memref_slice %arg5[%dma_start3A_999, %dma_start3A_1000] : memref<640x64xf32, #tpu.memory_space<vmem>> -> memref<128x64xf32, #tpu.memory_space<vmem>>
      %dma_start3A_1002 = tpu.memref_slice %arg2[%add3A_997, %mul3A_0] : memref<10000x128xf32, #tpu.memory_space<hbm>> -> memref<128x64xf32, #tpu.memory_space<hbm>>
      %dma_start3A_1003 = tpu.memref_slice %arg9[%dma_start3A_998] : memref<5x!tpu.dma_semaphore, #tpu.memory_space<semaphore_mem>> -> memref<1x!tpu.dma_semaphore, #tpu.memory_space<semaphore_mem>>
      %dma_start3A_1004 = tpu.memref_squeeze %dma_start3A_1003 : memref<1x!tpu.dma_semaphore, #tpu.memory_space<semaphore_mem>> -> memref<!tpu.dma_semaphore, #tpu.memory_space<semaphore_mem>>
      %dma_start3A_1005 = arith.constant 0 : i32
      %dma_start3A_1006 = arith.constant 0 : i32
      %dma_start3A_1007 = tpu.memref_slice %arg5[%dma_start3A_1005, %dma_start3A_1006] : memref<640x64xf32, #tpu.memory_space<vmem>> -> memref<128x64xf32, #tpu.memory_space<vmem>>
      %dma_start3A_1008 = tpu.memref_slice %arg2[%add3A_997, %mul3A_0] : memref<10000x128xf32, #tpu.memory_space<hbm>> -> memref<128x64xf32, #tpu.memory_space<hbm>>
      tpu.enqueue_dma source(%dma_start3A_1008 : memref<128x64xf32, #tpu.memory_space<hbm>>) target(%dma_start3A_1007 : memref<128x64xf32, #tpu.memory_space<vmem>>) target_semaphore(%dma_start3A_1004 : memref<!tpu.dma_semaphore, #tpu.memory_space<semaphore_mem>>)
      %add3A_1009 = arith.constant 128 : i32
      %add3A_1010 = arith.addi %mul3A_2, %add3A_1009 : i32
      %dma_start3A_1011 = arith.constant 1 : i32
      %dma_start3A_1012 = arith.constant 128 : i32
      %dma_start3A_1013 = arith.constant 0 : i32
      %dma_start3A_1014 = tpu.memref_slice %arg5[%dma_start3A_1012, %dma_start3A_1013] : memref<640x64xf32, #tpu.memory_space<vmem>> -> memref<128x64xf32, #tpu.memory_space<vmem>>
      %dma_start3A_1015 = tpu.memref_slice %arg2[%add3A_1010, %mul3A_0] : memref<10000x128xf32, #tpu.memory_space<hbm>> -> memref<128x64xf32, #tpu.memory_space<hbm>>
      %dma_start3A_1016 = tpu.memref_slice %arg9[%dma_start3A_1011] : memref<5x!tpu.dma_semaphore, #tpu.memory_space<semaphore_mem>> -> memref<1x!tpu.dma_semaphore, #tpu.memory_space<semaphore_mem>>
      %dma_start3A_1017 = tpu.memref_squeeze %dma_start3A_1016 : memref<1x!tpu.dma_semaphore, #tpu.memory_space<semaphore_mem>> -> memref<!tpu.dma_semaphore, #tpu.memory_space<semaphore_mem>>
      %dma_start3A_1018 = arith.constant 128 : i32
      %dma_start3A_1019 = arith.constant 0 : i32
      %dma_start3A_1020 = tpu.memref_slice %arg5[%dma_start3A_1018, %dma_start3A_1019] : memref<640x64xf32, #tpu.memory_space<vmem>> -> memref<128x64xf32, #tpu.memory_space<vmem>>
      %dma_start3A_1021 = tpu.memref_slice %arg2[%add3A_1010, %mul3A_0] : memref<10000x128xf32, #tpu.memory_space<hbm>> -> memref<128x64xf32, #tpu.memory_space<hbm>>
      tpu.enqueue_dma source(%dma_start3A_1021 : memref<128x64xf32, #tpu.memory_space<hbm>>) target(%dma_start3A_1020 : memref<128x64xf32, #tpu.memory_space<vmem>>) target_semaphore(%dma_start3A_1017 : memref<!tpu.dma_semaphore, #tpu.memory_space<semaphore_mem>>)
      %add3A_1022 = arith.constant 256 : i32
      %add3A_1023 = arith.addi %mul3A_2, %add3A_1022 : i32
      %dma_start3A_1024 = arith.constant 2 : i32
      %dma_start3A_1025 = arith.constant 256 : i32
      %dma_start3A_1026 = arith.constant 0 : i32
      %dma_start3A_1027 = tpu.memref_slice %arg5[%dma_start3A_1025, %dma_start3A_1026] : memref<640x64xf32, #tpu.memory_space<vmem>> -> memref<128x64xf32, #tpu.memory_space<vmem>>
      %dma_start3A_1028 = tpu.memref_slice %arg2[%add3A_1023, %mul3A_0] : memref<10000x128xf32, #tpu.memory_space<hbm>> -> memref<128x64xf32, #tpu.memory_space<hbm>>
      %dma_start3A_1029 = tpu.memref_slice %arg9[%dma_start3A_1024] : memref<5x!tpu.dma_semaphore, #tpu.memory_space<semaphore_mem>> -> memref<1x!tpu.dma_semaphore, #tpu.memory_space<semaphore_mem>>
      %dma_start3A_1030 = tpu.memref_squeeze %dma_start3A_1029 : memref<1x!tpu.dma_semaphore, #tpu.memory_space<semaphore_mem>> -> memref<!tpu.dma_semaphore, #tpu.memory_space<semaphore_mem>>
      %dma_start3A_1031 = arith.constant 256 : i32
      %dma_start3A_1032 = arith.constant 0 : i32
      %dma_start3A_1033 = tpu.memref_slice %arg5[%dma_start3A_1031, %dma_start3A_1032] : memref<640x64xf32, #tpu.memory_space<vmem>> -> memref<128x64xf32, #tpu.memory_space<vmem>>
      %dma_start3A_1034 = tpu.memref_slice %arg2[%add3A_1023, %mul3A_0] : memref<10000x128xf32, #tpu.memory_space<hbm>> -> memref<128x64xf32, #tpu.memory_space<hbm>>
      tpu.enqueue_dma source(%dma_start3A_1034 : memref<128x64xf32, #tpu.memory_space<hbm>>) target(%dma_start3A_1033 : memref<128x64xf32, #tpu.memory_space<vmem>>) target_semaphore(%dma_start3A_1030 : memref<!tpu.dma_semaphore, #tpu.memory_space<semaphore_mem>>)
      %add3A_1035 = arith.constant 384 : i32
      %add3A_1036 = arith.addi %mul3A_2, %add3A_1035 : i32
      %dma_start3A_1037 = arith.constant 3 : i32
      %dma_start3A_1038 = arith.constant 384 : i32
      %dma_start3A_1039 = arith.constant 0 : i32
      %dma_start3A_1040 = tpu.memref_slice %arg5[%dma_start3A_1038, %dma_start3A_1039] : memref<640x64xf32, #tpu.memory_space<vmem>> -> memref<128x64xf32, #tpu.memory_space<vmem>>
      %dma_start3A_1041 = tpu.memref_slice %arg2[%add3A_1036, %mul3A_0] : memref<10000x128xf32, #tpu.memory_space<hbm>> -> memref<128x64xf32, #tpu.memory_space<hbm>>
      %dma_start3A_1042 = tpu.memref_slice %arg9[%dma_start3A_1037] : memref<5x!tpu.dma_semaphore, #tpu.memory_space<semaphore_mem>> -> memref<1x!tpu.dma_semaphore, #tpu.memory_space<semaphore_mem>>
      %dma_start3A_1043 = tpu.memref_squeeze %dma_start3A_1042 : memref<1x!tpu.dma_semaphore, #tpu.memory_space<semaphore_mem>> -> memref<!tpu.dma_semaphore, #tpu.memory_space<semaphore_mem>>
      %dma_start3A_1044 = arith.constant 384 : i32
      %dma_start3A_1045 = arith.constant 0 : i32
      %dma_start3A_1046 = tpu.memref_slice %arg5[%dma_start3A_1044, %dma_start3A_1045] : memref<640x64xf32, #tpu.memory_space<vmem>> -> memref<128x64xf32, #tpu.memory_space<vmem>>
      %dma_start3A_1047 = tpu.memref_slice %arg2[%add3A_1036, %mul3A_0] : memref<10000x128xf32, #tpu.memory_space<hbm>> -> memref<128x64xf32, #tpu.memory_space<hbm>>
      tpu.enqueue_dma source(%dma_start3A_1047 : memref<128x64xf32, #tpu.memory_space<hbm>>) target(%dma_start3A_1046 : memref<128x64xf32, #tpu.memory_space<vmem>>) target_semaphore(%dma_start3A_1043 : memref<!tpu.dma_semaphore, #tpu.memory_space<semaphore_mem>>)
      %add3A_1048 = arith.constant 512 : i32
      %add3A_1049 = arith.addi %mul3A_2, %add3A_1048 : i32
      %dma_start3A_1050 = arith.constant 4 : i32
      %dma_start3A_1051 = arith.constant 512 : i32
      %dma_start3A_1052 = arith.constant 0 : i32
      %dma_start3A_1053 = tpu.memref_slice %arg5[%dma_start3A_1051, %dma_start3A_1052] : memref<640x64xf32, #tpu.memory_space<vmem>> -> memref<128x64xf32, #tpu.memory_space<vmem>>
      %dma_start3A_1054 = tpu.memref_slice %arg2[%add3A_1049, %mul3A_0] : memref<10000x128xf32, #tpu.memory_space<hbm>> -> memref<128x64xf32, #tpu.memory_space<hbm>>
      %dma_start3A_1055 = tpu.memref_slice %arg9[%dma_start3A_1050] : memref<5x!tpu.dma_semaphore, #tpu.memory_space<semaphore_mem>> -> memref<1x!tpu.dma_semaphore, #tpu.memory_space<semaphore_mem>>
      %dma_start3A_1056 = tpu.memref_squeeze %dma_start3A_1055 : memref<1x!tpu.dma_semaphore, #tpu.memory_space<semaphore_mem>> -> memref<!tpu.dma_semaphore, #tpu.memory_space<semaphore_mem>>
      %dma_start3A_1057 = arith.constant 512 : i32
      %dma_start3A_1058 = arith.constant 0 : i32
      %dma_start3A_1059 = tpu.memref_slice %arg5[%dma_start3A_1057, %dma_start3A_1058] : memref<640x64xf32, #tpu.memory_space<vmem>> -> memref<128x64xf32, #tpu.memory_space<vmem>>
      %dma_start3A_1060 = tpu.memref_slice %arg2[%add3A_1049, %mul3A_0] : memref<10000x128xf32, #tpu.memory_space<hbm>> -> memref<128x64xf32, #tpu.memory_space<hbm>>
      tpu.enqueue_dma source(%dma_start3A_1060 : memref<128x64xf32, #tpu.memory_space<hbm>>) target(%dma_start3A_1059 : memref<128x64xf32, #tpu.memory_space<vmem>>) target_semaphore(%dma_start3A_1056 : memref<!tpu.dma_semaphore, #tpu.memory_space<semaphore_mem>>)
    } else {
    }
    %eq3A = arith.constant 15 : i32
    %eq3A_5 = arith.cmpi eq, %arg1, %eq3A : i32
    %convert_element_type3A_6 = arith.extui %eq3A_5 : i1 to i32
    %cond3A_7 = arith.constant 0 : i32
    %cond3A_8 = arith.cmpi ne, %convert_element_type3A_6, %cond3A_7 : i32
    scf.if %cond3A_8 {
      %add3A = arith.constant 0 : i32
      %add3A_942 = arith.addi %mul3A_2, %add3A : i32
      %dma_start3A_943 = arith.constant 0 : i32
      %dma_start3A_944 = arith.constant 0 : i32
      %dma_start3A_945 = tpu.memref_slice %arg6[%dma_start3A_943, %dma_start3A_944] : memref<5x128xi32, #tpu.memory_space<vmem>> -> memref<1x128xi32, #tpu.memory_space<vmem>>
      %dma_start3A_946 = tpu.memref_squeeze %dma_start3A_945 : memref<1x128xi32, #tpu.memory_space<vmem>> -> memref<128xi32, #tpu.memory_space<vmem>>
      %dma_start3A_947 = tpu.memref_slice %arg3[%add3A_942] : memref<10000xi32, #tpu.memory_space<hbm>> -> memref<128xi32, #tpu.memory_space<hbm>>
      %dma_start3A_948 = arith.constant 0 : i32
      %dma_start3A_949 = tpu.memref_slice %arg6[%dma_start3A_943, %dma_start3A_948] : memref<5x128xi32, #tpu.memory_space<vmem>> -> memref<1x128xi32, #tpu.memory_space<vmem>>
      %dma_start3A_950 = tpu.memref_squeeze %dma_start3A_949 : memref<1x128xi32, #tpu.memory_space<vmem>> -> memref<128xi32, #tpu.memory_space<vmem>>
      %dma_start3A_951 = tpu.memref_slice %arg3[%add3A_942] : memref<10000xi32, #tpu.memory_space<hbm>> -> memref<128xi32, #tpu.memory_space<hbm>>
      tpu.enqueue_dma source(%dma_start3A_951 : memref<128xi32, #tpu.memory_space<hbm>>) target(%dma_start3A_950 : memref<128xi32, #tpu.memory_space<vmem>>) target_semaphore(%arg10 : memref<!tpu.dma_semaphore, #tpu.memory_space<semaphore_mem>>)
      %add3A_952 = arith.constant 128 : i32
      %add3A_953 = arith.addi %mul3A_2, %add3A_952 : i32
      %dma_start3A_954 = arith.constant 1 : i32
      %dma_start3A_955 = arith.constant 0 : i32
      %dma_start3A_956 = tpu.memref_slice %arg6[%dma_start3A_954, %dma_start3A_955] : memref<5x128xi32, #tpu.memory_space<vmem>> -> memref<1x128xi32, #tpu.memory_space<vmem>>
      %dma_start3A_957 = tpu.memref_squeeze %dma_start3A_956 : memref<1x128xi32, #tpu.memory_space<vmem>> -> memref<128xi32, #tpu.memory_space<vmem>>
      %dma_start3A_958 = tpu.memref_slice %arg3[%add3A_953] : memref<10000xi32, #tpu.memory_space<hbm>> -> memref<128xi32, #tpu.memory_space<hbm>>
      %dma_start3A_959 = arith.constant 0 : i32
      %dma_start3A_960 = tpu.memref_slice %arg6[%dma_start3A_954, %dma_start3A_959] : memref<5x128xi32, #tpu.memory_space<vmem>> -> memref<1x128xi32, #tpu.memory_space<vmem>>
      %dma_start3A_961 = tpu.memref_squeeze %dma_start3A_960 : memref<1x128xi32, #tpu.memory_space<vmem>> -> memref<128xi32, #tpu.memory_space<vmem>>
      %dma_start3A_962 = tpu.memref_slice %arg3[%add3A_953] : memref<10000xi32, #tpu.memory_space<hbm>> -> memref<128xi32, #tpu.memory_space<hbm>>
      tpu.enqueue_dma source(%dma_start3A_962 : memref<128xi32, #tpu.memory_space<hbm>>) target(%dma_start3A_961 : memref<128xi32, #tpu.memory_space<vmem>>) target_semaphore(%arg10 : memref<!tpu.dma_semaphore, #tpu.memory_space<semaphore_mem>>)
      %add3A_963 = arith.constant 256 : i32
      %add3A_964 = arith.addi %mul3A_2, %add3A_963 : i32
      %dma_start3A_965 = arith.constant 2 : i32
      %dma_start3A_966 = arith.constant 0 : i32
      %dma_start3A_967 = tpu.memref_slice %arg6[%dma_start3A_965, %dma_start3A_966] : memref<5x128xi32, #tpu.memory_space<vmem>> -> memref<1x128xi32, #tpu.memory_space<vmem>>
      %dma_start3A_968 = tpu.memref_squeeze %dma_start3A_967 : memref<1x128xi32, #tpu.memory_space<vmem>> -> memref<128xi32, #tpu.memory_space<vmem>>
      %dma_start3A_969 = tpu.memref_slice %arg3[%add3A_964] : memref<10000xi32, #tpu.memory_space<hbm>> -> memref<128xi32, #tpu.memory_space<hbm>>
      %dma_start3A_970 = arith.constant 0 : i32
      %dma_start3A_971 = tpu.memref_slice %arg6[%dma_start3A_965, %dma_start3A_970] : memref<5x128xi32, #tpu.memory_space<vmem>> -> memref<1x128xi32, #tpu.memory_space<vmem>>
      %dma_start3A_972 = tpu.memref_squeeze %dma_start3A_971 : memref<1x128xi32, #tpu.memory_space<vmem>> -> memref<128xi32, #tpu.memory_space<vmem>>
      %dma_start3A_973 = tpu.memref_slice %arg3[%add3A_964] : memref<10000xi32, #tpu.memory_space<hbm>> -> memref<128xi32, #tpu.memory_space<hbm>>
      tpu.enqueue_dma source(%dma_start3A_973 : memref<128xi32, #tpu.memory_space<hbm>>) target(%dma_start3A_972 : memref<128xi32, #tpu.memory_space<vmem>>) target_semaphore(%arg10 : memref<!tpu.dma_semaphore, #tpu.memory_space<semaphore_mem>>)
      %add3A_974 = arith.constant 384 : i32
      %add3A_975 = arith.addi %mul3A_2, %add3A_974 : i32
      %dma_start3A_976 = arith.constant 3 : i32
      %dma_start3A_977 = arith.constant 0 : i32
      %dma_start3A_978 = tpu.memref_slice %arg6[%dma_start3A_976, %dma_start3A_977] : memref<5x128xi32, #tpu.memory_space<vmem>> -> memref<1x16xi32, #tpu.memory_space<vmem>>
      %dma_start3A_979 = tpu.memref_squeeze %dma_start3A_978 : memref<1x16xi32, #tpu.memory_space<vmem>> -> memref<16xi32, #tpu.memory_space<vmem>>
      %dma_start3A_980 = tpu.memref_slice %arg3[%add3A_975] : memref<10000xi32, #tpu.memory_space<hbm>> -> memref<16xi32, #tpu.memory_space<hbm>>
      %dma_start3A_981 = arith.constant 0 : i32
      %dma_start3A_982 = tpu.memref_slice %arg6[%dma_start3A_976, %dma_start3A_981] : memref<5x128xi32, #tpu.memory_space<vmem>> -> memref<1x16xi32, #tpu.memory_space<vmem>>
      %dma_start3A_983 = tpu.memref_squeeze %dma_start3A_982 : memref<1x16xi32, #tpu.memory_space<vmem>> -> memref<16xi32, #tpu.memory_space<vmem>>
      %dma_start3A_984 = tpu.memref_slice %arg3[%add3A_975] : memref<10000xi32, #tpu.memory_space<hbm>> -> memref<16xi32, #tpu.memory_space<hbm>>
      tpu.enqueue_dma source(%dma_start3A_984 : memref<16xi32, #tpu.memory_space<hbm>>) target(%dma_start3A_983 : memref<16xi32, #tpu.memory_space<vmem>>) target_semaphore(%arg10 : memref<!tpu.dma_semaphore, #tpu.memory_space<semaphore_mem>>)
      %add3A_985 = arith.constant 0 : i32
      %add3A_986 = arith.addi %mul3A_2, %add3A_985 : i32
      %dma_start3A_987 = arith.constant 0 : i32
      %dma_start3A_988 = arith.constant 0 : i32
      %dma_start3A_989 = arith.constant 0 : i32
      %dma_start3A_990 = tpu.memref_slice %arg5[%dma_start3A_988, %dma_start3A_989] : memref<640x64xf32, #tpu.memory_space<vmem>> -> memref<128x64xf32, #tpu.memory_space<vmem>>
      %dma_start3A_991 = tpu.memref_slice %arg2[%add3A_986, %mul3A_0] : memref<10000x128xf32, #tpu.memory_space<hbm>> -> memref<128x64xf32, #tpu.memory_space<hbm>>
      %dma_start3A_992 = tpu.memref_slice %arg9[%dma_start3A_987] : memref<5x!tpu.dma_semaphore, #tpu.memory_space<semaphore_mem>> -> memref<1x!tpu.dma_semaphore, #tpu.memory_space<semaphore_mem>>
      %dma_start3A_993 = tpu.memref_squeeze %dma_start3A_992 : memref<1x!tpu.dma_semaphore, #tpu.memory_space<semaphore_mem>> -> memref<!tpu.dma_semaphore, #tpu.memory_space<semaphore_mem>>
      %dma_start3A_994 = arith.constant 0 : i32
      %dma_start3A_995 = arith.constant 0 : i32
      %dma_start3A_996 = tpu.memref_slice %arg5[%dma_start3A_994, %dma_start3A_995] : memref<640x64xf32, #tpu.memory_space<vmem>> -> memref<128x64xf32, #tpu.memory_space<vmem>>
      %dma_start3A_997 = tpu.memref_slice %arg2[%add3A_986, %mul3A_0] : memref<10000x128xf32, #tpu.memory_space<hbm>> -> memref<128x64xf32, #tpu.memory_space<hbm>>
      tpu.enqueue_dma source(%dma_start3A_997 : memref<128x64xf32, #tpu.memory_space<hbm>>) target(%dma_start3A_996 : memref<128x64xf32, #tpu.memory_space<vmem>>) target_semaphore(%dma_start3A_993 : memref<!tpu.dma_semaphore, #tpu.memory_space<semaphore_mem>>)
      %add3A_998 = arith.constant 128 : i32
      %add3A_999 = arith.addi %mul3A_2, %add3A_998 : i32
      %dma_start3A_1000 = arith.constant 1 : i32
      %dma_start3A_1001 = arith.constant 128 : i32
      %dma_start3A_1002 = arith.constant 0 : i32
      %dma_start3A_1003 = tpu.memref_slice %arg5[%dma_start3A_1001, %dma_start3A_1002] : memref<640x64xf32, #tpu.memory_space<vmem>> -> memref<128x64xf32, #tpu.memory_space<vmem>>
      %dma_start3A_1004 = tpu.memref_slice %arg2[%add3A_999, %mul3A_0] : memref<10000x128xf32, #tpu.memory_space<hbm>> -> memref<128x64xf32, #tpu.memory_space<hbm>>
      %dma_start3A_1005 = tpu.memref_slice %arg9[%dma_start3A_1000] : memref<5x!tpu.dma_semaphore, #tpu.memory_space<semaphore_mem>> -> memref<1x!tpu.dma_semaphore, #tpu.memory_space<semaphore_mem>>
      %dma_start3A_1006 = tpu.memref_squeeze %dma_start3A_1005 : memref<1x!tpu.dma_semaphore, #tpu.memory_space<semaphore_mem>> -> memref<!tpu.dma_semaphore, #tpu.memory_space<semaphore_mem>>
      %dma_start3A_1007 = arith.constant 128 : i32
      %dma_start3A_1008 = arith.constant 0 : i32
      %dma_start3A_1009 = tpu.memref_slice %arg5[%dma_start3A_1007, %dma_start3A_1008] : memref<640x64xf32, #tpu.memory_space<vmem>> -> memref<128x64xf32, #tpu.memory_space<vmem>>
      %dma_start3A_1010 = tpu.memref_slice %arg2[%add3A_999, %mul3A_0] : memref<10000x128xf32, #tpu.memory_space<hbm>> -> memref<128x64xf32, #tpu.memory_space<hbm>>
      tpu.enqueue_dma source(%dma_start3A_1010 : memref<128x64xf32, #tpu.memory_space<hbm>>) target(%dma_start3A_1009 : memref<128x64xf32, #tpu.memory_space<vmem>>) target_semaphore(%dma_start3A_1006 : memref<!tpu.dma_semaphore, #tpu.memory_space<semaphore_mem>>)
      %add3A_1011 = arith.constant 256 : i32
      %add3A_1012 = arith.addi %mul3A_2, %add3A_1011 : i32
      %dma_start3A_1013 = arith.constant 2 : i32
      %dma_start3A_1014 = arith.constant 256 : i32
      %dma_start3A_1015 = arith.constant 0 : i32
      %dma_start3A_1016 = tpu.memref_slice %arg5[%dma_start3A_1014, %dma_start3A_1015] : memref<640x64xf32, #tpu.memory_space<vmem>> -> memref<128x64xf32, #tpu.memory_space<vmem>>
      %dma_start3A_1017 = tpu.memref_slice %arg2[%add3A_1012, %mul3A_0] : memref<10000x128xf32, #tpu.memory_space<hbm>> -> memref<128x64xf32, #tpu.memory_space<hbm>>
      %dma_start3A_1018 = tpu.memref_slice %arg9[%dma_start3A_1013] : memref<5x!tpu.dma_semaphore, #tpu.memory_space<semaphore_mem>> -> memref<1x!tpu.dma_semaphore, #tpu.memory_space<semaphore_mem>>
      %dma_start3A_1019 = tpu.memref_squeeze %dma_start3A_1018 : memref<1x!tpu.dma_semaphore, #tpu.memory_space<semaphore_mem>> -> memref<!tpu.dma_semaphore, #tpu.memory_space<semaphore_mem>>
      %dma_start3A_1020 = arith.constant 256 : i32
      %dma_start3A_1021 = arith.constant 0 : i32
      %dma_start3A_1022 = tpu.memref_slice %arg5[%dma_start3A_1020, %dma_start3A_1021] : memref<640x64xf32, #tpu.memory_space<vmem>> -> memref<128x64xf32, #tpu.memory_space<vmem>>
      %dma_start3A_1023 = tpu.memref_slice %arg2[%add3A_1012, %mul3A_0] : memref<10000x128xf32, #tpu.memory_space<hbm>> -> memref<128x64xf32, #tpu.memory_space<hbm>>
      tpu.enqueue_dma source(%dma_start3A_1023 : memref<128x64xf32, #tpu.memory_space<hbm>>) target(%dma_start3A_1022 : memref<128x64xf32, #tpu.memory_space<vmem>>) target_semaphore(%dma_start3A_1019 : memref<!tpu.dma_semaphore, #tpu.memory_space<semaphore_mem>>)
      %add3A_1024 = arith.constant 384 : i32
      %add3A_1025 = arith.addi %mul3A_2, %add3A_1024 : i32
      %dma_start3A_1026 = arith.constant 3 : i32
      %dma_start3A_1027 = arith.constant 384 : i32
      %dma_start3A_1028 = arith.constant 0 : i32
      %dma_start3A_1029 = tpu.memref_slice %arg5[%dma_start3A_1027, %dma_start3A_1028] : memref<640x64xf32, #tpu.memory_space<vmem>> -> memref<16x64xf32, #tpu.memory_space<vmem>>
      %dma_start3A_1030 = tpu.memref_slice %arg2[%add3A_1025, %mul3A_0] : memref<10000x128xf32, #tpu.memory_space<hbm>> -> memref<16x64xf32, #tpu.memory_space<hbm>>
      %dma_start3A_1031 = tpu.memref_slice %arg9[%dma_start3A_1026] : memref<5x!tpu.dma_semaphore, #tpu.memory_space<semaphore_mem>> -> memref<1x!tpu.dma_semaphore, #tpu.memory_space<semaphore_mem>>
      %dma_start3A_1032 = tpu.memref_squeeze %dma_start3A_1031 : memref<1x!tpu.dma_semaphore, #tpu.memory_space<semaphore_mem>> -> memref<!tpu.dma_semaphore, #tpu.memory_space<semaphore_mem>>
      %dma_start3A_1033 = arith.constant 384 : i32
      %dma_start3A_1034 = arith.constant 0 : i32
      %dma_start3A_1035 = tpu.memref_slice %arg5[%dma_start3A_1033, %dma_start3A_1034] : memref<640x64xf32, #tpu.memory_space<vmem>> -> memref<16x64xf32, #tpu.memory_space<vmem>>
      %dma_start3A_1036 = tpu.memref_slice %arg2[%add3A_1025, %mul3A_0] : memref<10000x128xf32, #tpu.memory_space<hbm>> -> memref<16x64xf32, #tpu.memory_space<hbm>>
      tpu.enqueue_dma source(%dma_start3A_1036 : memref<16x64xf32, #tpu.memory_space<hbm>>) target(%dma_start3A_1035 : memref<16x64xf32, #tpu.memory_space<vmem>>) target_semaphore(%dma_start3A_1032 : memref<!tpu.dma_semaphore, #tpu.memory_space<semaphore_mem>>)
    } else {
    }
    %broadcast_in_dim3A = arith.constant 0.000000e+00 : f32
    %broadcast_in_dim3A_9 = vector.broadcast %broadcast_in_dim3A : f32 to vector<16xf32>
    %swap3A = arith.constant 0 : i32
    %swap3A_10 = arith.index_cast %swap3A : i32 to index
    %swap3A_11 = arith.constant 0 : index
    %swap3A_12 = tpu.vector_load %arg7[%swap3A_10, %swap3A_11] {strides = array<i32>} : memref<32x64xf32, #tpu.memory_space<vmem>>, vector<1x16xf32>,
    %swap3A_13 = vector.shape_cast %swap3A_12 : vector<1x16xf32> to vector<16xf32>
    %swap3A_14 = vector.shape_cast %broadcast_in_dim3A_9 : vector<16xf32> to vector<1x16xf32>
    tpu.vector_store %arg7[%swap3A_10, %swap3A_11], %swap3A_14 {strides = array<i32>} : memref<32x64xf32, #tpu.memory_space<vmem>>, vector<1x16xf32>,
    %swap3A_15 = arith.constant 0 : i32
    %swap3A_16 = arith.index_cast %swap3A_15 : i32 to index
    %swap3A_17 = arith.constant 16 : index
    %swap3A_18 = tpu.vector_load %arg7[%swap3A_16, %swap3A_17] {strides = array<i32>} : memref<32x64xf32, #tpu.memory_space<vmem>>, vector<1x16xf32>,
    %swap3A_19 = vector.shape_cast %swap3A_18 : vector<1x16xf32> to vector<16xf32>
    %swap3A_20 = vector.shape_cast %broadcast_in_dim3A_9 : vector<16xf32> to vector<1x16xf32>
    tpu.vector_store %arg7[%swap3A_16, %swap3A_17], %swap3A_20 {strides = array<i32>} : memref<32x64xf32, #tpu.memory_space<vmem>>, vector<1x16xf32>,
    %swap3A_21 = arith.constant 0 : i32
    %swap3A_22 = arith.index_cast %swap3A_21 : i32 to index
    %swap3A_23 = arith.constant 32 : index
    %swap3A_24 = tpu.vector_load %arg7[%swap3A_22, %swap3A_23] {strides = array<i32>} : memref<32x64xf32, #tpu.memory_space<vmem>>, vector<1x16xf32>,
    %swap3A_25 = vector.shape_cast %swap3A_24 : vector<1x16xf32> to vector<16xf32>
    %swap3A_26 = vector.shape_cast %broadcast_in_dim3A_9 : vector<16xf32> to vector<1x16xf32>
    tpu.vector_store %arg7[%swap3A_22, %swap3A_23], %swap3A_26 {strides = array<i32>} : memref<32x64xf32, #tpu.memory_space<vmem>>, vector<1x16xf32>,
    %swap3A_27 = arith.constant 0 : i32
    %swap3A_28 = arith.index_cast %swap3A_27 : i32 to index
    %swap3A_29 = arith.constant 48 : index
    %swap3A_30 = tpu.vector_load %arg7[%swap3A_28, %swap3A_29] {strides = array<i32>} : memref<32x64xf32, #tpu.memory_space<vmem>>, vector<1x16xf32>,
    %swap3A_31 = vector.shape_cast %swap3A_30 : vector<1x16xf32> to vector<16xf32>
    %swap3A_32 = vector.shape_cast %broadcast_in_dim3A_9 : vector<16xf32> to vector<1x16xf32>
    tpu.vector_store %arg7[%swap3A_28, %swap3A_29], %swap3A_32 {strides = array<i32>} : memref<32x64xf32, #tpu.memory_space<vmem>>, vector<1x16xf32>,
    %swap3A_33 = arith.constant 1 : i32
    %swap3A_34 = arith.index_cast %swap3A_33 : i32 to index
    %swap3A_35 = arith.constant 0 : index
    %swap3A_36 = tpu.vector_load %arg7[%swap3A_34, %swap3A_35] {strides = array<i32>} : memref<32x64xf32, #tpu.memory_space<vmem>>, vector<1x16xf32>,
    %swap3A_37 = vector.shape_cast %swap3A_36 : vector<1x16xf32> to vector<16xf32>
    %swap3A_38 = vector.shape_cast %broadcast_in_dim3A_9 : vector<16xf32> to vector<1x16xf32>
    tpu.vector_store %arg7[%swap3A_34, %swap3A_35], %swap3A_38 {strides = array<i32>} : memref<32x64xf32, #tpu.memory_space<vmem>>, vector<1x16xf32>,
    %swap3A_39 = arith.constant 1 : i32
    %swap3A_40 = arith.index_cast %swap3A_39 : i32 to index
    %swap3A_41 = arith.constant 16 : index
    %swap3A_42 = tpu.vector_load %arg7[%swap3A_40, %swap3A_41] {strides = array<i32>} : memref<32x64xf32, #tpu.memory_space<vmem>>, vector<1x16xf32>,
    %swap3A_43 = vector.shape_cast %swap3A_42 : vector<1x16xf32> to vector<16xf32>
    %swap3A_44 = vector.shape_cast %broadcast_in_dim3A_9 : vector<16xf32> to vector<1x16xf32>
    tpu.vector_store %arg7[%swap3A_40, %swap3A_41], %swap3A_44 {strides = array<i32>} : memref<32x64xf32, #tpu.memory_space<vmem>>, vector<1x16xf32>,
    %swap3A_45 = arith.constant 1 : i32
    %swap3A_46 = arith.index_cast %swap3A_45 : i32 to index
    %swap3A_47 = arith.constant 32 : index
    %swap3A_48 = tpu.vector_load %arg7[%swap3A_46, %swap3A_47] {strides = array<i32>} : memref<32x64xf32, #tpu.memory_space<vmem>>, vector<1x16xf32>,
    %swap3A_49 = vector.shape_cast %swap3A_48 : vector<1x16xf32> to vector<16xf32>
    %swap3A_50 = vector.shape_cast %broadcast_in_dim3A_9 : vector<16xf32> to vector<1x16xf32>
    tpu.vector_store %arg7[%swap3A_46, %swap3A_47], %swap3A_50 {strides = array<i32>} : memref<32x64xf32, #tpu.memory_space<vmem>>, vector<1x16xf32>,
    %swap3A_51 = arith.constant 1 : i32
    %swap3A_52 = arith.index_cast %swap3A_51 : i32 to index
    %swap3A_53 = arith.constant 48 : index
    %swap3A_54 = tpu.vector_load %arg7[%swap3A_52, %swap3A_53] {strides = array<i32>} : memref<32x64xf32, #tpu.memory_space<vmem>>, vector<1x16xf32>,
    %swap3A_55 = vector.shape_cast %swap3A_54 : vector<1x16xf32> to vector<16xf32>
    %swap3A_56 = vector.shape_cast %broadcast_in_dim3A_9 : vector<16xf32> to vector<1x16xf32>
    tpu.vector_store %arg7[%swap3A_52, %swap3A_53], %swap3A_56 {strides = array<i32>} : memref<32x64xf32, #tpu.memory_space<vmem>>, vector<1x16xf32>,
    %swap3A_57 = arith.constant 2 : i32
    %swap3A_58 = arith.index_cast %swap3A_57 : i32 to index
    %swap3A_59 = arith.constant 0 : index
    %swap3A_60 = tpu.vector_load %arg7[%swap3A_58, %swap3A_59] {strides = array<i32>} : memref<32x64xf32, #tpu.memory_space<vmem>>, vector<1x16xf32>,
    %swap3A_61 = vector.shape_cast %swap3A_60 : vector<1x16xf32> to vector<16xf32>
    %swap3A_62 = vector.shape_cast %broadcast_in_dim3A_9 : vector<16xf32> to vector<1x16xf32>
    tpu.vector_store %arg7[%swap3A_58, %swap3A_59], %swap3A_62 {strides = array<i32>} : memref<32x64xf32, #tpu.memory_space<vmem>>, vector<1x16xf32>,
    %swap3A_63 = arith.constant 2 : i32
    %swap3A_64 = arith.index_cast %swap3A_63 : i32 to index
    %swap3A_65 = arith.constant 16 : index
    %swap3A_66 = tpu.vector_load %arg7[%swap3A_64, %swap3A_65] {strides = array<i32>} : memref<32x64xf32, #tpu.memory_space<vmem>>, vector<1x16xf32>,
    %swap3A_67 = vector.shape_cast %swap3A_66 : vector<1x16xf32> to vector<16xf32>
    %swap3A_68 = vector.shape_cast %broadcast_in_dim3A_9 : vector<16xf32> to vector<1x16xf32>
    tpu.vector_store %arg7[%swap3A_64, %swap3A_65], %swap3A_68 {strides = array<i32>} : memref<32x64xf32, #tpu.memory_space<vmem>>, vector<1x16xf32>,
    %swap3A_69 = arith.constant 2 : i32
    %swap3A_70 = arith.index_cast %swap3A_69 : i32 to index
    %swap3A_71 = arith.constant 32 : index
    %swap3A_72 = tpu.vector_load %arg7[%swap3A_70, %swap3A_71] {strides = array<i32>} : memref<32x64xf32, #tpu.memory_space<vmem>>, vector<1x16xf32>,
    %swap3A_73 = vector.shape_cast %swap3A_72 : vector<1x16xf32> to vector<16xf32>
    %swap3A_74 = vector.shape_cast %broadcast_in_dim3A_9 : vector<16xf32> to vector<1x16xf32>
    tpu.vector_store %arg7[%swap3A_70, %swap3A_71], %swap3A_74 {strides = array<i32>} : memref<32x64xf32, #tpu.memory_space<vmem>>, vector<1x16xf32>,
    %swap3A_75 = arith.constant 2 : i32
    %swap3A_76 = arith.index_cast %swap3A_75 : i32 to index
    %swap3A_77 = arith.constant 48 : index
    %swap3A_78 = tpu.vector_load %arg7[%swap3A_76, %swap3A_77] {strides = array<i32>} : memref<32x64xf32, #tpu.memory_space<vmem>>, vector<1x16xf32>,
    %swap3A_79 = vector.shape_cast %swap3A_78 : vector<1x16xf32> to vector<16xf32>
    %swap3A_80 = vector.shape_cast %broadcast_in_dim3A_9 : vector<16xf32> to vector<1x16xf32>
    tpu.vector_store %arg7[%swap3A_76, %swap3A_77], %swap3A_80 {strides = array<i32>} : memref<32x64xf32, #tpu.memory_space<vmem>>, vector<1x16xf32>,
    %swap3A_81 = arith.constant 3 : i32
    %swap3A_82 = arith.index_cast %swap3A_81 : i32 to index
    %swap3A_83 = arith.constant 0 : index
    %swap3A_84 = tpu.vector_load %arg7[%swap3A_82, %swap3A_83] {strides = array<i32>} : memref<32x64xf32, #tpu.memory_space<vmem>>, vector<1x16xf32>,
    %swap3A_85 = vector.shape_cast %swap3A_84 : vector<1x16xf32> to vector<16xf32>
    %swap3A_86 = vector.shape_cast %broadcast_in_dim3A_9 : vector<16xf32> to vector<1x16xf32>
    tpu.vector_store %arg7[%swap3A_82, %swap3A_83], %swap3A_86 {strides = array<i32>} : memref<32x64xf32, #tpu.memory_space<vmem>>, vector<1x16xf32>,
    %swap3A_87 = arith.constant 3 : i32
    %swap3A_88 = arith.index_cast %swap3A_87 : i32 to index
    %swap3A_89 = arith.constant 16 : index
    %swap3A_90 = tpu.vector_load %arg7[%swap3A_88, %swap3A_89] {strides = array<i32>} : memref<32x64xf32, #tpu.memory_space<vmem>>, vector<1x16xf32>,
    %swap3A_91 = vector.shape_cast %swap3A_90 : vector<1x16xf32> to vector<16xf32>
    %swap3A_92 = vector.shape_cast %broadcast_in_dim3A_9 : vector<16xf32> to vector<1x16xf32>
    tpu.vector_store %arg7[%swap3A_88, %swap3A_89], %swap3A_92 {strides = array<i32>} : memref<32x64xf32, #tpu.memory_space<vmem>>, vector<1x16xf32>,
    %swap3A_93 = arith.constant 3 : i32
    %swap3A_94 = arith.index_cast %swap3A_93 : i32 to index
    %swap3A_95 = arith.constant 32 : index
    %swap3A_96 = tpu.vector_load %arg7[%swap3A_94, %swap3A_95] {strides = array<i32>} : memref<32x64xf32, #tpu.memory_space<vmem>>, vector<1x16xf32>,
    %swap3A_97 = vector.shape_cast %swap3A_96 : vector<1x16xf32> to vector<16xf32>
    %swap3A_98 = vector.shape_cast %broadcast_in_dim3A_9 : vector<16xf32> to vector<1x16xf32>
    tpu.vector_store %arg7[%swap3A_94, %swap3A_95], %swap3A_98 {strides = array<i32>} : memref<32x64xf32, #tpu.memory_space<vmem>>, vector<1x16xf32>,
    %swap3A_99 = arith.constant 3 : i32
    %swap3A_100 = arith.index_cast %swap3A_99 : i32 to index
    %swap3A_101 = arith.constant 48 : index
    %swap3A_102 = tpu.vector_load %arg7[%swap3A_100, %swap3A_101] {strides = array<i32>} : memref<32x64xf32, #tpu.memory_space<vmem>>, vector<1x16xf32>,
    %swap3A_103 = vector.shape_cast %swap3A_102 : vector<1x16xf32> to vector<16xf32>
    %swap3A_104 = vector.shape_cast %broadcast_in_dim3A_9 : vector<16xf32> to vector<1x16xf32>
    tpu.vector_store %arg7[%swap3A_100, %swap3A_101], %swap3A_104 {strides = array<i32>} : memref<32x64xf32, #tpu.memory_space<vmem>>, vector<1x16xf32>,
    %swap3A_105 = arith.constant 4 : i32
    %swap3A_106 = arith.index_cast %swap3A_105 : i32 to index
    %swap3A_107 = arith.constant 0 : index
    %swap3A_108 = tpu.vector_load %arg7[%swap3A_106, %swap3A_107] {strides = array<i32>} : memref<32x64xf32, #tpu.memory_space<vmem>>, vector<1x16xf32>,
    %swap3A_109 = vector.shape_cast %swap3A_108 : vector<1x16xf32> to vector<16xf32>
    %swap3A_110 = vector.shape_cast %broadcast_in_dim3A_9 : vector<16xf32> to vector<1x16xf32>
    tpu.vector_store %arg7[%swap3A_106, %swap3A_107], %swap3A_110 {strides = array<i32>} : memref<32x64xf32, #tpu.memory_space<vmem>>, vector<1x16xf32>,
    %swap3A_111 = arith.constant 4 : i32
    %swap3A_112 = arith.index_cast %swap3A_111 : i32 to index
    %swap3A_113 = arith.constant 16 : index
    %swap3A_114 = tpu.vector_load %arg7[%swap3A_112, %swap3A_113] {strides = array<i32>} : memref<32x64xf32, #tpu.memory_space<vmem>>, vector<1x16xf32>,
    %swap3A_115 = vector.shape_cast %swap3A_114 : vector<1x16xf32> to vector<16xf32>
    %swap3A_116 = vector.shape_cast %broadcast_in_dim3A_9 : vector<16xf32> to vector<1x16xf32>
    tpu.vector_store %arg7[%swap3A_112, %swap3A_113], %swap3A_116 {strides = array<i32>} : memref<32x64xf32, #tpu.memory_space<vmem>>, vector<1x16xf32>,
    %swap3A_117 = arith.constant 4 : i32
    %swap3A_118 = arith.index_cast %swap3A_117 : i32 to index
    %swap3A_119 = arith.constant 32 : index
    %swap3A_120 = tpu.vector_load %arg7[%swap3A_118, %swap3A_119] {strides = array<i32>} : memref<32x64xf32, #tpu.memory_space<vmem>>, vector<1x16xf32>,
    %swap3A_121 = vector.shape_cast %swap3A_120 : vector<1x16xf32> to vector<16xf32>
    %swap3A_122 = vector.shape_cast %broadcast_in_dim3A_9 : vector<16xf32> to vector<1x16xf32>
    tpu.vector_store %arg7[%swap3A_118, %swap3A_119], %swap3A_122 {strides = array<i32>} : memref<32x64xf32, #tpu.memory_space<vmem>>, vector<1x16xf32>,
    %swap3A_123 = arith.constant 4 : i32
    %swap3A_124 = arith.index_cast %swap3A_123 : i32 to index
    %swap3A_125 = arith.constant 48 : index
    %swap3A_126 = tpu.vector_load %arg7[%swap3A_124, %swap3A_125] {strides = array<i32>} : memref<32x64xf32, #tpu.memory_space<vmem>>, vector<1x16xf32>,
    %swap3A_127 = vector.shape_cast %swap3A_126 : vector<1x16xf32> to vector<16xf32>
    %swap3A_128 = vector.shape_cast %broadcast_in_dim3A_9 : vector<16xf32> to vector<1x16xf32>
    tpu.vector_store %arg7[%swap3A_124, %swap3A_125], %swap3A_128 {strides = array<i32>} : memref<32x64xf32, #tpu.memory_space<vmem>>, vector<1x16xf32>,
    %swap3A_129 = arith.constant 5 : i32
    %swap3A_130 = arith.index_cast %swap3A_129 : i32 to index
    %swap3A_131 = arith.constant 0 : index
    %swap3A_132 = tpu.vector_load %arg7[%swap3A_130, %swap3A_131] {strides = array<i32>} : memref<32x64xf32, #tpu.memory_space<vmem>>, vector<1x16xf32>,
    %swap3A_133 = vector.shape_cast %swap3A_132 : vector<1x16xf32> to vector<16xf32>
    %swap3A_134 = vector.shape_cast %broadcast_in_dim3A_9 : vector<16xf32> to vector<1x16xf32>
    tpu.vector_store %arg7[%swap3A_130, %swap3A_131], %swap3A_134 {strides = array<i32>} : memref<32x64xf32, #tpu.memory_space<vmem>>, vector<1x16xf32>,
    %swap3A_135 = arith.constant 5 : i32
    %swap3A_136 = arith.index_cast %swap3A_135 : i32 to index
    %swap3A_137 = arith.constant 16 : index
    %swap3A_138 = tpu.vector_load %arg7[%swap3A_136, %swap3A_137] {strides = array<i32>} : memref<32x64xf32, #tpu.memory_space<vmem>>, vector<1x16xf32>,
    %swap3A_139 = vector.shape_cast %swap3A_138 : vector<1x16xf32> to vector<16xf32>
    %swap3A_140 = vector.shape_cast %broadcast_in_dim3A_9 : vector<16xf32> to vector<1x16xf32>
    tpu.vector_store %arg7[%swap3A_136, %swap3A_137], %swap3A_140 {strides = array<i32>} : memref<32x64xf32, #tpu.memory_space<vmem>>, vector<1x16xf32>,
    %swap3A_141 = arith.constant 5 : i32
    %swap3A_142 = arith.index_cast %swap3A_141 : i32 to index
    %swap3A_143 = arith.constant 32 : index
    %swap3A_144 = tpu.vector_load %arg7[%swap3A_142, %swap3A_143] {strides = array<i32>} : memref<32x64xf32, #tpu.memory_space<vmem>>, vector<1x16xf32>,
    %swap3A_145 = vector.shape_cast %swap3A_144 : vector<1x16xf32> to vector<16xf32>
    %swap3A_146 = vector.shape_cast %broadcast_in_dim3A_9 : vector<16xf32> to vector<1x16xf32>
    tpu.vector_store %arg7[%swap3A_142, %swap3A_143], %swap3A_146 {strides = array<i32>} : memref<32x64xf32, #tpu.memory_space<vmem>>, vector<1x16xf32>,
    %swap3A_147 = arith.constant 5 : i32
    %swap3A_148 = arith.index_cast %swap3A_147 : i32 to index
    %swap3A_149 = arith.constant 48 : index
    %swap3A_150 = tpu.vector_load %arg7[%swap3A_148, %swap3A_149] {strides = array<i32>} : memref<32x64xf32, #tpu.memory_space<vmem>>, vector<1x16xf32>,
    %swap3A_151 = vector.shape_cast %swap3A_150 : vector<1x16xf32> to vector<16xf32>
    %swap3A_152 = vector.shape_cast %broadcast_in_dim3A_9 : vector<16xf32> to vector<1x16xf32>
    tpu.vector_store %arg7[%swap3A_148, %swap3A_149], %swap3A_152 {strides = array<i32>} : memref<32x64xf32, #tpu.memory_space<vmem>>, vector<1x16xf32>,
    %swap3A_153 = arith.constant 6 : i32
    %swap3A_154 = arith.index_cast %swap3A_153 : i32 to index
    %swap3A_155 = arith.constant 0 : index
    %swap3A_156 = tpu.vector_load %arg7[%swap3A_154, %swap3A_155] {strides = array<i32>} : memref<32x64xf32, #tpu.memory_space<vmem>>, vector<1x16xf32>,
    %swap3A_157 = vector.shape_cast %swap3A_156 : vector<1x16xf32> to vector<16xf32>
    %swap3A_158 = vector.shape_cast %broadcast_in_dim3A_9 : vector<16xf32> to vector<1x16xf32>
    tpu.vector_store %arg7[%swap3A_154, %swap3A_155], %swap3A_158 {strides = array<i32>} : memref<32x64xf32, #tpu.memory_space<vmem>>, vector<1x16xf32>,
    %swap3A_159 = arith.constant 6 : i32
    %swap3A_160 = arith.index_cast %swap3A_159 : i32 to index
    %swap3A_161 = arith.constant 16 : index
    %swap3A_162 = tpu.vector_load %arg7[%swap3A_160, %swap3A_161] {strides = array<i32>} : memref<32x64xf32, #tpu.memory_space<vmem>>, vector<1x16xf32>,
    %swap3A_163 = vector.shape_cast %swap3A_162 : vector<1x16xf32> to vector<16xf32>
    %swap3A_164 = vector.shape_cast %broadcast_in_dim3A_9 : vector<16xf32> to vector<1x16xf32>
    tpu.vector_store %arg7[%swap3A_160, %swap3A_161], %swap3A_164 {strides = array<i32>} : memref<32x64xf32, #tpu.memory_space<vmem>>, vector<1x16xf32>,
    %swap3A_165 = arith.constant 6 : i32
    %swap3A_166 = arith.index_cast %swap3A_165 : i32 to index
    %swap3A_167 = arith.constant 32 : index
    %swap3A_168 = tpu.vector_load %arg7[%swap3A_166, %swap3A_167] {strides = array<i32>} : memref<32x64xf32, #tpu.memory_space<vmem>>, vector<1x16xf32>,
    %swap3A_169 = vector.shape_cast %swap3A_168 : vector<1x16xf32> to vector<16xf32>
    %swap3A_170 = vector.shape_cast %broadcast_in_dim3A_9 : vector<16xf32> to vector<1x16xf32>
    tpu.vector_store %arg7[%swap3A_166, %swap3A_167], %swap3A_170 {strides = array<i32>} : memref<32x64xf32, #tpu.memory_space<vmem>>, vector<1x16xf32>,
    %swap3A_171 = arith.constant 6 : i32
    %swap3A_172 = arith.index_cast %swap3A_171 : i32 to index
    %swap3A_173 = arith.constant 48 : index
    %swap3A_174 = tpu.vector_load %arg7[%swap3A_172, %swap3A_173] {strides = array<i32>} : memref<32x64xf32, #tpu.memory_space<vmem>>, vector<1x16xf32>,
    %swap3A_175 = vector.shape_cast %swap3A_174 : vector<1x16xf32> to vector<16xf32>
    %swap3A_176 = vector.shape_cast %broadcast_in_dim3A_9 : vector<16xf32> to vector<1x16xf32>
    tpu.vector_store %arg7[%swap3A_172, %swap3A_173], %swap3A_176 {strides = array<i32>} : memref<32x64xf32, #tpu.memory_space<vmem>>, vector<1x16xf32>,
    %swap3A_177 = arith.constant 7 : i32
    %swap3A_178 = arith.index_cast %swap3A_177 : i32 to index
    %swap3A_179 = arith.constant 0 : index
    %swap3A_180 = tpu.vector_load %arg7[%swap3A_178, %swap3A_179] {strides = array<i32>} : memref<32x64xf32, #tpu.memory_space<vmem>>, vector<1x16xf32>,
    %swap3A_181 = vector.shape_cast %swap3A_180 : vector<1x16xf32> to vector<16xf32>
    %swap3A_182 = vector.shape_cast %broadcast_in_dim3A_9 : vector<16xf32> to vector<1x16xf32>
    tpu.vector_store %arg7[%swap3A_178, %swap3A_179], %swap3A_182 {strides = array<i32>} : memref<32x64xf32, #tpu.memory_space<vmem>>, vector<1x16xf32>,
    %swap3A_183 = arith.constant 7 : i32
    %swap3A_184 = arith.index_cast %swap3A_183 : i32 to index
    %swap3A_185 = arith.constant 16 : index
    %swap3A_186 = tpu.vector_load %arg7[%swap3A_184, %swap3A_185] {strides = array<i32>} : memref<32x64xf32, #tpu.memory_space<vmem>>, vector<1x16xf32>,
    %swap3A_187 = vector.shape_cast %swap3A_186 : vector<1x16xf32> to vector<16xf32>
    %swap3A_188 = vector.shape_cast %broadcast_in_dim3A_9 : vector<16xf32> to vector<1x16xf32>
    tpu.vector_store %arg7[%swap3A_184, %swap3A_185], %swap3A_188 {strides = array<i32>} : memref<32x64xf32, #tpu.memory_space<vmem>>, vector<1x16xf32>,
    %swap3A_189 = arith.constant 7 : i32
    %swap3A_190 = arith.index_cast %swap3A_189 : i32 to index
    %swap3A_191 = arith.constant 32 : index
    %swap3A_192 = tpu.vector_load %arg7[%swap3A_190, %swap3A_191] {strides = array<i32>} : memref<32x64xf32, #tpu.memory_space<vmem>>, vector<1x16xf32>,
    %swap3A_193 = vector.shape_cast %swap3A_192 : vector<1x16xf32> to vector<16xf32>
    %swap3A_194 = vector.shape_cast %broadcast_in_dim3A_9 : vector<16xf32> to vector<1x16xf32>
    tpu.vector_store %arg7[%swap3A_190, %swap3A_191], %swap3A_194 {strides = array<i32>} : memref<32x64xf32, #tpu.memory_space<vmem>>, vector<1x16xf32>,
    %swap3A_195 = arith.constant 7 : i32
    %swap3A_196 = arith.index_cast %swap3A_195 : i32 to index
    %swap3A_197 = arith.constant 48 : index
    %swap3A_198 = tpu.vector_load %arg7[%swap3A_196, %swap3A_197] {strides = array<i32>} : memref<32x64xf32, #tpu.memory_space<vmem>>, vector<1x16xf32>,
    %swap3A_199 = vector.shape_cast %swap3A_198 : vector<1x16xf32> to vector<16xf32>
    %swap3A_200 = vector.shape_cast %broadcast_in_dim3A_9 : vector<16xf32> to vector<1x16xf32>
    tpu.vector_store %arg7[%swap3A_196, %swap3A_197], %swap3A_200 {strides = array<i32>} : memref<32x64xf32, #tpu.memory_space<vmem>>, vector<1x16xf32>,
    %swap3A_201 = arith.constant 8 : i32
    %swap3A_202 = arith.index_cast %swap3A_201 : i32 to index
    %swap3A_203 = arith.constant 0 : index
    %swap3A_204 = tpu.vector_load %arg7[%swap3A_202, %swap3A_203] {strides = array<i32>} : memref<32x64xf32, #tpu.memory_space<vmem>>, vector<1x16xf32>,
    %swap3A_205 = vector.shape_cast %swap3A_204 : vector<1x16xf32> to vector<16xf32>
    %swap3A_206 = vector.shape_cast %broadcast_in_dim3A_9 : vector<16xf32> to vector<1x16xf32>
    tpu.vector_store %arg7[%swap3A_202, %swap3A_203], %swap3A_206 {strides = array<i32>} : memref<32x64xf32, #tpu.memory_space<vmem>>, vector<1x16xf32>,
    %swap3A_207 = arith.constant 8 : i32
    %swap3A_208 = arith.index_cast %swap3A_207 : i32 to index
    %swap3A_209 = arith.constant 16 : index
    %swap3A_210 = tpu.vector_load %arg7[%swap3A_208, %swap3A_209] {strides = array<i32>} : memref<32x64xf32, #tpu.memory_space<vmem>>, vector<1x16xf32>,
    %swap3A_211 = vector.shape_cast %swap3A_210 : vector<1x16xf32> to vector<16xf32>
    %swap3A_212 = vector.shape_cast %broadcast_in_dim3A_9 : vector<16xf32> to vector<1x16xf32>
    tpu.vector_store %arg7[%swap3A_208, %swap3A_209], %swap3A_212 {strides = array<i32>} : memref<32x64xf32, #tpu.memory_space<vmem>>, vector<1x16xf32>,
    %swap3A_213 = arith.constant 8 : i32
    %swap3A_214 = arith.index_cast %swap3A_213 : i32 to index
    %swap3A_215 = arith.constant 32 : index
    %swap3A_216 = tpu.vector_load %arg7[%swap3A_214, %swap3A_215] {strides = array<i32>} : memref<32x64xf32, #tpu.memory_space<vmem>>, vector<1x16xf32>,
    %swap3A_217 = vector.shape_cast %swap3A_216 : vector<1x16xf32> to vector<16xf32>
    %swap3A_218 = vector.shape_cast %broadcast_in_dim3A_9 : vector<16xf32> to vector<1x16xf32>
    tpu.vector_store %arg7[%swap3A_214, %swap3A_215], %swap3A_218 {strides = array<i32>} : memref<32x64xf32, #tpu.memory_space<vmem>>, vector<1x16xf32>,
    %swap3A_219 = arith.constant 8 : i32
    %swap3A_220 = arith.index_cast %swap3A_219 : i32 to index
    %swap3A_221 = arith.constant 48 : index
    %swap3A_222 = tpu.vector_load %arg7[%swap3A_220, %swap3A_221] {strides = array<i32>} : memref<32x64xf32, #tpu.memory_space<vmem>>, vector<1x16xf32>,
    %swap3A_223 = vector.shape_cast %swap3A_222 : vector<1x16xf32> to vector<16xf32>
    %swap3A_224 = vector.shape_cast %broadcast_in_dim3A_9 : vector<16xf32> to vector<1x16xf32>
    tpu.vector_store %arg7[%swap3A_220, %swap3A_221], %swap3A_224 {strides = array<i32>} : memref<32x64xf32, #tpu.memory_space<vmem>>, vector<1x16xf32>,
    %swap3A_225 = arith.constant 9 : i32
    %swap3A_226 = arith.index_cast %swap3A_225 : i32 to index
    %swap3A_227 = arith.constant 0 : index
    %swap3A_228 = tpu.vector_load %arg7[%swap3A_226, %swap3A_227] {strides = array<i32>} : memref<32x64xf32, #tpu.memory_space<vmem>>, vector<1x16xf32>,
    %swap3A_229 = vector.shape_cast %swap3A_228 : vector<1x16xf32> to vector<16xf32>
    %swap3A_230 = vector.shape_cast %broadcast_in_dim3A_9 : vector<16xf32> to vector<1x16xf32>
    tpu.vector_store %arg7[%swap3A_226, %swap3A_227], %swap3A_230 {strides = array<i32>} : memref<32x64xf32, #tpu.memory_space<vmem>>, vector<1x16xf32>,
    %swap3A_231 = arith.constant 9 : i32
    %swap3A_232 = arith.index_cast %swap3A_231 : i32 to index
    %swap3A_233 = arith.constant 16 : index
    %swap3A_234 = tpu.vector_load %arg7[%swap3A_232, %swap3A_233] {strides = array<i32>} : memref<32x64xf32, #tpu.memory_space<vmem>>, vector<1x16xf32>,
    %swap3A_235 = vector.shape_cast %swap3A_234 : vector<1x16xf32> to vector<16xf32>
    %swap3A_236 = vector.shape_cast %broadcast_in_dim3A_9 : vector<16xf32> to vector<1x16xf32>
    tpu.vector_store %arg7[%swap3A_232, %swap3A_233], %swap3A_236 {strides = array<i32>} : memref<32x64xf32, #tpu.memory_space<vmem>>, vector<1x16xf32>,
    %swap3A_237 = arith.constant 9 : i32
    %swap3A_238 = arith.index_cast %swap3A_237 : i32 to index
    %swap3A_239 = arith.constant 32 : index
    %swap3A_240 = tpu.vector_load %arg7[%swap3A_238, %swap3A_239] {strides = array<i32>} : memref<32x64xf32, #tpu.memory_space<vmem>>, vector<1x16xf32>,
    %swap3A_241 = vector.shape_cast %swap3A_240 : vector<1x16xf32> to vector<16xf32>
    %swap3A_242 = vector.shape_cast %broadcast_in_dim3A_9 : vector<16xf32> to vector<1x16xf32>
    tpu.vector_store %arg7[%swap3A_238, %swap3A_239], %swap3A_242 {strides = array<i32>} : memref<32x64xf32, #tpu.memory_space<vmem>>, vector<1x16xf32>,
    %swap3A_243 = arith.constant 9 : i32
    %swap3A_244 = arith.index_cast %swap3A_243 : i32 to index
    %swap3A_245 = arith.constant 48 : index
    %swap3A_246 = tpu.vector_load %arg7[%swap3A_244, %swap3A_245] {strides = array<i32>} : memref<32x64xf32, #tpu.memory_space<vmem>>, vector<1x16xf32>,
    %swap3A_247 = vector.shape_cast %swap3A_246 : vector<1x16xf32> to vector<16xf32>
    %swap3A_248 = vector.shape_cast %broadcast_in_dim3A_9 : vector<16xf32> to vector<1x16xf32>
    tpu.vector_store %arg7[%swap3A_244, %swap3A_245], %swap3A_248 {strides = array<i32>} : memref<32x64xf32, #tpu.memory_space<vmem>>, vector<1x16xf32>,
    %swap3A_249 = arith.constant 10 : i32
    %swap3A_250 = arith.index_cast %swap3A_249 : i32 to index
    %swap3A_251 = arith.constant 0 : index
    %swap3A_252 = tpu.vector_load %arg7[%swap3A_250, %swap3A_251] {strides = array<i32>} : memref<32x64xf32, #tpu.memory_space<vmem>>, vector<1x16xf32>,
    %swap3A_253 = vector.shape_cast %swap3A_252 : vector<1x16xf32> to vector<16xf32>
    %swap3A_254 = vector.shape_cast %broadcast_in_dim3A_9 : vector<16xf32> to vector<1x16xf32>
    tpu.vector_store %arg7[%swap3A_250, %swap3A_251], %swap3A_254 {strides = array<i32>} : memref<32x64xf32, #tpu.memory_space<vmem>>, vector<1x16xf32>,
    %swap3A_255 = arith.constant 10 : i32
    %swap3A_256 = arith.index_cast %swap3A_255 : i32 to index
    %swap3A_257 = arith.constant 16 : index
    %swap3A_258 = tpu.vector_load %arg7[%swap3A_256, %swap3A_257] {strides = array<i32>} : memref<32x64xf32, #tpu.memory_space<vmem>>, vector<1x16xf32>,
    %swap3A_259 = vector.shape_cast %swap3A_258 : vector<1x16xf32> to vector<16xf32>
    %swap3A_260 = vector.shape_cast %broadcast_in_dim3A_9 : vector<16xf32> to vector<1x16xf32>
    tpu.vector_store %arg7[%swap3A_256, %swap3A_257], %swap3A_260 {strides = array<i32>} : memref<32x64xf32, #tpu.memory_space<vmem>>, vector<1x16xf32>,
    %swap3A_261 = arith.constant 10 : i32
    %swap3A_262 = arith.index_cast %swap3A_261 : i32 to index
    %swap3A_263 = arith.constant 32 : index
    %swap3A_264 = tpu.vector_load %arg7[%swap3A_262, %swap3A_263] {strides = array<i32>} : memref<32x64xf32, #tpu.memory_space<vmem>>, vector<1x16xf32>,
    %swap3A_265 = vector.shape_cast %swap3A_264 : vector<1x16xf32> to vector<16xf32>
    %swap3A_266 = vector.shape_cast %broadcast_in_dim3A_9 : vector<16xf32> to vector<1x16xf32>
    tpu.vector_store %arg7[%swap3A_262, %swap3A_263], %swap3A_266 {strides = array<i32>} : memref<32x64xf32, #tpu.memory_space<vmem>>, vector<1x16xf32>,
    %swap3A_267 = arith.constant 10 : i32
    %swap3A_268 = arith.index_cast %swap3A_267 : i32 to index
    %swap3A_269 = arith.constant 48 : index
    %swap3A_270 = tpu.vector_load %arg7[%swap3A_268, %swap3A_269] {strides = array<i32>} : memref<32x64xf32, #tpu.memory_space<vmem>>, vector<1x16xf32>,
    %swap3A_271 = vector.shape_cast %swap3A_270 : vector<1x16xf32> to vector<16xf32>
    %swap3A_272 = vector.shape_cast %broadcast_in_dim3A_9 : vector<16xf32> to vector<1x16xf32>
    tpu.vector_store %arg7[%swap3A_268, %swap3A_269], %swap3A_272 {strides = array<i32>} : memref<32x64xf32, #tpu.memory_space<vmem>>, vector<1x16xf32>,
    %swap3A_273 = arith.constant 11 : i32
    %swap3A_274 = arith.index_cast %swap3A_273 : i32 to index
    %swap3A_275 = arith.constant 0 : index
    %swap3A_276 = tpu.vector_load %arg7[%swap3A_274, %swap3A_275] {strides = array<i32>} : memref<32x64xf32, #tpu.memory_space<vmem>>, vector<1x16xf32>,
    %swap3A_277 = vector.shape_cast %swap3A_276 : vector<1x16xf32> to vector<16xf32>
    %swap3A_278 = vector.shape_cast %broadcast_in_dim3A_9 : vector<16xf32> to vector<1x16xf32>
    tpu.vector_store %arg7[%swap3A_274, %swap3A_275], %swap3A_278 {strides = array<i32>} : memref<32x64xf32, #tpu.memory_space<vmem>>, vector<1x16xf32>,
    %swap3A_279 = arith.constant 11 : i32
    %swap3A_280 = arith.index_cast %swap3A_279 : i32 to index
    %swap3A_281 = arith.constant 16 : index
    %swap3A_282 = tpu.vector_load %arg7[%swap3A_280, %swap3A_281] {strides = array<i32>} : memref<32x64xf32, #tpu.memory_space<vmem>>, vector<1x16xf32>,
    %swap3A_283 = vector.shape_cast %swap3A_282 : vector<1x16xf32> to vector<16xf32>
    %swap3A_284 = vector.shape_cast %broadcast_in_dim3A_9 : vector<16xf32> to vector<1x16xf32>
    tpu.vector_store %arg7[%swap3A_280, %swap3A_281], %swap3A_284 {strides = array<i32>} : memref<32x64xf32, #tpu.memory_space<vmem>>, vector<1x16xf32>,
    %swap3A_285 = arith.constant 11 : i32
    %swap3A_286 = arith.index_cast %swap3A_285 : i32 to index
    %swap3A_287 = arith.constant 32 : index
    %swap3A_288 = tpu.vector_load %arg7[%swap3A_286, %swap3A_287] {strides = array<i32>} : memref<32x64xf32, #tpu.memory_space<vmem>>, vector<1x16xf32>,
    %swap3A_289 = vector.shape_cast %swap3A_288 : vector<1x16xf32> to vector<16xf32>
    %swap3A_290 = vector.shape_cast %broadcast_in_dim3A_9 : vector<16xf32> to vector<1x16xf32>
    tpu.vector_store %arg7[%swap3A_286, %swap3A_287], %swap3A_290 {strides = array<i32>} : memref<32x64xf32, #tpu.memory_space<vmem>>, vector<1x16xf32>,
    %swap3A_291 = arith.constant 11 : i32
    %swap3A_292 = arith.index_cast %swap3A_291 : i32 to index
    %swap3A_293 = arith.constant 48 : index
    %swap3A_294 = tpu.vector_load %arg7[%swap3A_292, %swap3A_293] {strides = array<i32>} : memref<32x64xf32, #tpu.memory_space<vmem>>, vector<1x16xf32>,
    %swap3A_295 = vector.shape_cast %swap3A_294 : vector<1x16xf32> to vector<16xf32>
    %swap3A_296 = vector.shape_cast %broadcast_in_dim3A_9 : vector<16xf32> to vector<1x16xf32>
    tpu.vector_store %arg7[%swap3A_292, %swap3A_293], %swap3A_296 {strides = array<i32>} : memref<32x64xf32, #tpu.memory_space<vmem>>, vector<1x16xf32>,
    %swap3A_297 = arith.constant 12 : i32
    %swap3A_298 = arith.index_cast %swap3A_297 : i32 to index
    %swap3A_299 = arith.constant 0 : index
    %swap3A_300 = tpu.vector_load %arg7[%swap3A_298, %swap3A_299] {strides = array<i32>} : memref<32x64xf32, #tpu.memory_space<vmem>>, vector<1x16xf32>,
    %swap3A_301 = vector.shape_cast %swap3A_300 : vector<1x16xf32> to vector<16xf32>
    %swap3A_302 = vector.shape_cast %broadcast_in_dim3A_9 : vector<16xf32> to vector<1x16xf32>
    tpu.vector_store %arg7[%swap3A_298, %swap3A_299], %swap3A_302 {strides = array<i32>} : memref<32x64xf32, #tpu.memory_space<vmem>>, vector<1x16xf32>,
    %swap3A_303 = arith.constant 12 : i32
    %swap3A_304 = arith.index_cast %swap3A_303 : i32 to index
    %swap3A_305 = arith.constant 16 : index
    %swap3A_306 = tpu.vector_load %arg7[%swap3A_304, %swap3A_305] {strides = array<i32>} : memref<32x64xf32, #tpu.memory_space<vmem>>, vector<1x16xf32>,
    %swap3A_307 = vector.shape_cast %swap3A_306 : vector<1x16xf32> to vector<16xf32>
    %swap3A_308 = vector.shape_cast %broadcast_in_dim3A_9 : vector<16xf32> to vector<1x16xf32>
    tpu.vector_store %arg7[%swap3A_304, %swap3A_305], %swap3A_308 {strides = array<i32>} : memref<32x64xf32, #tpu.memory_space<vmem>>, vector<1x16xf32>,
    %swap3A_309 = arith.constant 12 : i32
    %swap3A_310 = arith.index_cast %swap3A_309 : i32 to index
    %swap3A_311 = arith.constant 32 : index
    %swap3A_312 = tpu.vector_load %arg7[%swap3A_310, %swap3A_311] {strides = array<i32>} : memref<32x64xf32, #tpu.memory_space<vmem>>, vector<1x16xf32>,
    %swap3A_313 = vector.shape_cast %swap3A_312 : vector<1x16xf32> to vector<16xf32>
    %swap3A_314 = vector.shape_cast %broadcast_in_dim3A_9 : vector<16xf32> to vector<1x16xf32>
    tpu.vector_store %arg7[%swap3A_310, %swap3A_311], %swap3A_314 {strides = array<i32>} : memref<32x64xf32, #tpu.memory_space<vmem>>, vector<1x16xf32>,
    %swap3A_315 = arith.constant 12 : i32
    %swap3A_316 = arith.index_cast %swap3A_315 : i32 to index
    %swap3A_317 = arith.constant 48 : index
    %swap3A_318 = tpu.vector_load %arg7[%swap3A_316, %swap3A_317] {strides = array<i32>} : memref<32x64xf32, #tpu.memory_space<vmem>>, vector<1x16xf32>,
    %swap3A_319 = vector.shape_cast %swap3A_318 : vector<1x16xf32> to vector<16xf32>
    %swap3A_320 = vector.shape_cast %broadcast_in_dim3A_9 : vector<16xf32> to vector<1x16xf32>
    tpu.vector_store %arg7[%swap3A_316, %swap3A_317], %swap3A_320 {strides = array<i32>} : memref<32x64xf32, #tpu.memory_space<vmem>>, vector<1x16xf32>,
    %swap3A_321 = arith.constant 13 : i32
    %swap3A_322 = arith.index_cast %swap3A_321 : i32 to index
    %swap3A_323 = arith.constant 0 : index
    %swap3A_324 = tpu.vector_load %arg7[%swap3A_322, %swap3A_323] {strides = array<i32>} : memref<32x64xf32, #tpu.memory_space<vmem>>, vector<1x16xf32>,
    %swap3A_325 = vector.shape_cast %swap3A_324 : vector<1x16xf32> to vector<16xf32>
    %swap3A_326 = vector.shape_cast %broadcast_in_dim3A_9 : vector<16xf32> to vector<1x16xf32>
    tpu.vector_store %arg7[%swap3A_322, %swap3A_323], %swap3A_326 {strides = array<i32>} : memref<32x64xf32, #tpu.memory_space<vmem>>, vector<1x16xf32>,
    %swap3A_327 = arith.constant 13 : i32
    %swap3A_328 = arith.index_cast %swap3A_327 : i32 to index
    %swap3A_329 = arith.constant 16 : index
    %swap3A_330 = tpu.vector_load %arg7[%swap3A_328, %swap3A_329] {strides = array<i32>} : memref<32x64xf32, #tpu.memory_space<vmem>>, vector<1x16xf32>,
    %swap3A_331 = vector.shape_cast %swap3A_330 : vector<1x16xf32> to vector<16xf32>
    %swap3A_332 = vector.shape_cast %broadcast_in_dim3A_9 : vector<16xf32> to vector<1x16xf32>
    tpu.vector_store %arg7[%swap3A_328, %swap3A_329], %swap3A_332 {strides = array<i32>} : memref<32x64xf32, #tpu.memory_space<vmem>>, vector<1x16xf32>,
    %swap3A_333 = arith.constant 13 : i32
    %swap3A_334 = arith.index_cast %swap3A_333 : i32 to index
    %swap3A_335 = arith.constant 32 : index
    %swap3A_336 = tpu.vector_load %arg7[%swap3A_334, %swap3A_335] {strides = array<i32>} : memref<32x64xf32, #tpu.memory_space<vmem>>, vector<1x16xf32>,
    %swap3A_337 = vector.shape_cast %swap3A_336 : vector<1x16xf32> to vector<16xf32>
    %swap3A_338 = vector.shape_cast %broadcast_in_dim3A_9 : vector<16xf32> to vector<1x16xf32>
    tpu.vector_store %arg7[%swap3A_334, %swap3A_335], %swap3A_338 {strides = array<i32>} : memref<32x64xf32, #tpu.memory_space<vmem>>, vector<1x16xf32>,
    %swap3A_339 = arith.constant 13 : i32
    %swap3A_340 = arith.index_cast %swap3A_339 : i32 to index
    %swap3A_341 = arith.constant 48 : index
    %swap3A_342 = tpu.vector_load %arg7[%swap3A_340, %swap3A_341] {strides = array<i32>} : memref<32x64xf32, #tpu.memory_space<vmem>>, vector<1x16xf32>,
    %swap3A_343 = vector.shape_cast %swap3A_342 : vector<1x16xf32> to vector<16xf32>
    %swap3A_344 = vector.shape_cast %broadcast_in_dim3A_9 : vector<16xf32> to vector<1x16xf32>
    tpu.vector_store %arg7[%swap3A_340, %swap3A_341], %swap3A_344 {strides = array<i32>} : memref<32x64xf32, #tpu.memory_space<vmem>>, vector<1x16xf32>,
    %swap3A_345 = arith.constant 14 : i32
    %swap3A_346 = arith.index_cast %swap3A_345 : i32 to index
    %swap3A_347 = arith.constant 0 : index
    %swap3A_348 = tpu.vector_load %arg7[%swap3A_346, %swap3A_347] {strides = array<i32>} : memref<32x64xf32, #tpu.memory_space<vmem>>, vector<1x16xf32>,
    %swap3A_349 = vector.shape_cast %swap3A_348 : vector<1x16xf32> to vector<16xf32>
    %swap3A_350 = vector.shape_cast %broadcast_in_dim3A_9 : vector<16xf32> to vector<1x16xf32>
    tpu.vector_store %arg7[%swap3A_346, %swap3A_347], %swap3A_350 {strides = array<i32>} : memref<32x64xf32, #tpu.memory_space<vmem>>, vector<1x16xf32>,
    %swap3A_351 = arith.constant 14 : i32
    %swap3A_352 = arith.index_cast %swap3A_351 : i32 to index
    %swap3A_353 = arith.constant 16 : index
    %swap3A_354 = tpu.vector_load %arg7[%swap3A_352, %swap3A_353] {strides = array<i32>} : memref<32x64xf32, #tpu.memory_space<vmem>>, vector<1x16xf32>,
    %swap3A_355 = vector.shape_cast %swap3A_354 : vector<1x16xf32> to vector<16xf32>
    %swap3A_356 = vector.shape_cast %broadcast_in_dim3A_9 : vector<16xf32> to vector<1x16xf32>
    tpu.vector_store %arg7[%swap3A_352, %swap3A_353], %swap3A_356 {strides = array<i32>} : memref<32x64xf32, #tpu.memory_space<vmem>>, vector<1x16xf32>,
    %swap3A_357 = arith.constant 14 : i32
    %swap3A_358 = arith.index_cast %swap3A_357 : i32 to index
    %swap3A_359 = arith.constant 32 : index
    %swap3A_360 = tpu.vector_load %arg7[%swap3A_358, %swap3A_359] {strides = array<i32>} : memref<32x64xf32, #tpu.memory_space<vmem>>, vector<1x16xf32>,
    %swap3A_361 = vector.shape_cast %swap3A_360 : vector<1x16xf32> to vector<16xf32>
    %swap3A_362 = vector.shape_cast %broadcast_in_dim3A_9 : vector<16xf32> to vector<1x16xf32>
    tpu.vector_store %arg7[%swap3A_358, %swap3A_359], %swap3A_362 {strides = array<i32>} : memref<32x64xf32, #tpu.memory_space<vmem>>, vector<1x16xf32>,
    %swap3A_363 = arith.constant 14 : i32
    %swap3A_364 = arith.index_cast %swap3A_363 : i32 to index
    %swap3A_365 = arith.constant 48 : index
    %swap3A_366 = tpu.vector_load %arg7[%swap3A_364, %swap3A_365] {strides = array<i32>} : memref<32x64xf32, #tpu.memory_space<vmem>>, vector<1x16xf32>,
    %swap3A_367 = vector.shape_cast %swap3A_366 : vector<1x16xf32> to vector<16xf32>
    %swap3A_368 = vector.shape_cast %broadcast_in_dim3A_9 : vector<16xf32> to vector<1x16xf32>
    tpu.vector_store %arg7[%swap3A_364, %swap3A_365], %swap3A_368 {strides = array<i32>} : memref<32x64xf32, #tpu.memory_space<vmem>>, vector<1x16xf32>,
    %swap3A_369 = arith.constant 15 : i32
    %swap3A_370 = arith.index_cast %swap3A_369 : i32 to index
    %swap3A_371 = arith.constant 0 : index
    %swap3A_372 = tpu.vector_load %arg7[%swap3A_370, %swap3A_371] {strides = array<i32>} : memref<32x64xf32, #tpu.memory_space<vmem>>, vector<1x16xf32>,
    %swap3A_373 = vector.shape_cast %swap3A_372 : vector<1x16xf32> to vector<16xf32>
    %swap3A_374 = vector.shape_cast %broadcast_in_dim3A_9 : vector<16xf32> to vector<1x16xf32>
    tpu.vector_store %arg7[%swap3A_370, %swap3A_371], %swap3A_374 {strides = array<i32>} : memref<32x64xf32, #tpu.memory_space<vmem>>, vector<1x16xf32>,
    %swap3A_375 = arith.constant 15 : i32
    %swap3A_376 = arith.index_cast %swap3A_375 : i32 to index
    %swap3A_377 = arith.constant 16 : index
    %swap3A_378 = tpu.vector_load %arg7[%swap3A_376, %swap3A_377] {strides = array<i32>} : memref<32x64xf32, #tpu.memory_space<vmem>>, vector<1x16xf32>,
    %swap3A_379 = vector.shape_cast %swap3A_378 : vector<1x16xf32> to vector<16xf32>
    %swap3A_380 = vector.shape_cast %broadcast_in_dim3A_9 : vector<16xf32> to vector<1x16xf32>
    tpu.vector_store %arg7[%swap3A_376, %swap3A_377], %swap3A_380 {strides = array<i32>} : memref<32x64xf32, #tpu.memory_space<vmem>>, vector<1x16xf32>,
    %swap3A_381 = arith.constant 15 : i32
    %swap3A_382 = arith.index_cast %swap3A_381 : i32 to index
    %swap3A_383 = arith.constant 32 : index
    %swap3A_384 = tpu.vector_load %arg7[%swap3A_382, %swap3A_383] {strides = array<i32>} : memref<32x64xf32, #tpu.memory_space<vmem>>, vector<1x16xf32>,
    %swap3A_385 = vector.shape_cast %swap3A_384 : vector<1x16xf32> to vector<16xf32>
    %swap3A_386 = vector.shape_cast %broadcast_in_dim3A_9 : vector<16xf32> to vector<1x16xf32>
    tpu.vector_store %arg7[%swap3A_382, %swap3A_383], %swap3A_386 {strides = array<i32>} : memref<32x64xf32, #tpu.memory_space<vmem>>, vector<1x16xf32>,
    %swap3A_387 = arith.constant 15 : i32
    %swap3A_388 = arith.index_cast %swap3A_387 : i32 to index
    %swap3A_389 = arith.constant 48 : index
    %swap3A_390 = tpu.vector_load %arg7[%swap3A_388, %swap3A_389] {strides = array<i32>} : memref<32x64xf32, #tpu.memory_space<vmem>>, vector<1x16xf32>,
    %swap3A_391 = vector.shape_cast %swap3A_390 : vector<1x16xf32> to vector<16xf32>
    %swap3A_392 = vector.shape_cast %broadcast_in_dim3A_9 : vector<16xf32> to vector<1x16xf32>
    tpu.vector_store %arg7[%swap3A_388, %swap3A_389], %swap3A_392 {strides = array<i32>} : memref<32x64xf32, #tpu.memory_space<vmem>>, vector<1x16xf32>,
    %swap3A_393 = arith.constant 16 : i32
    %swap3A_394 = arith.index_cast %swap3A_393 : i32 to index
    %swap3A_395 = arith.constant 0 : index
    %swap3A_396 = tpu.vector_load %arg7[%swap3A_394, %swap3A_395] {strides = array<i32>} : memref<32x64xf32, #tpu.memory_space<vmem>>, vector<1x16xf32>,
    %swap3A_397 = vector.shape_cast %swap3A_396 : vector<1x16xf32> to vector<16xf32>
    %swap3A_398 = vector.shape_cast %broadcast_in_dim3A_9 : vector<16xf32> to vector<1x16xf32>
    tpu.vector_store %arg7[%swap3A_394, %swap3A_395], %swap3A_398 {strides = array<i32>} : memref<32x64xf32, #tpu.memory_space<vmem>>, vector<1x16xf32>,
    %swap3A_399 = arith.constant 16 : i32
    %swap3A_400 = arith.index_cast %swap3A_399 : i32 to index
    %swap3A_401 = arith.constant 16 : index
    %swap3A_402 = tpu.vector_load %arg7[%swap3A_400, %swap3A_401] {strides = array<i32>} : memref<32x64xf32, #tpu.memory_space<vmem>>, vector<1x16xf32>,
    %swap3A_403 = vector.shape_cast %swap3A_402 : vector<1x16xf32> to vector<16xf32>
    %swap3A_404 = vector.shape_cast %broadcast_in_dim3A_9 : vector<16xf32> to vector<1x16xf32>
    tpu.vector_store %arg7[%swap3A_400, %swap3A_401], %swap3A_404 {strides = array<i32>} : memref<32x64xf32, #tpu.memory_space<vmem>>, vector<1x16xf32>,
    %swap3A_405 = arith.constant 16 : i32
    %swap3A_406 = arith.index_cast %swap3A_405 : i32 to index
    %swap3A_407 = arith.constant 32 : index
    %swap3A_408 = tpu.vector_load %arg7[%swap3A_406, %swap3A_407] {strides = array<i32>} : memref<32x64xf32, #tpu.memory_space<vmem>>, vector<1x16xf32>,
    %swap3A_409 = vector.shape_cast %swap3A_408 : vector<1x16xf32> to vector<16xf32>
    %swap3A_410 = vector.shape_cast %broadcast_in_dim3A_9 : vector<16xf32> to vector<1x16xf32>
    tpu.vector_store %arg7[%swap3A_406, %swap3A_407], %swap3A_410 {strides = array<i32>} : memref<32x64xf32, #tpu.memory_space<vmem>>, vector<1x16xf32>,
    %swap3A_411 = arith.constant 16 : i32
    %swap3A_412 = arith.index_cast %swap3A_411 : i32 to index
    %swap3A_413 = arith.constant 48 : index
    %swap3A_414 = tpu.vector_load %arg7[%swap3A_412, %swap3A_413] {strides = array<i32>} : memref<32x64xf32, #tpu.memory_space<vmem>>, vector<1x16xf32>,
    %swap3A_415 = vector.shape_cast %swap3A_414 : vector<1x16xf32> to vector<16xf32>
    %swap3A_416 = vector.shape_cast %broadcast_in_dim3A_9 : vector<16xf32> to vector<1x16xf32>
    tpu.vector_store %arg7[%swap3A_412, %swap3A_413], %swap3A_416 {strides = array<i32>} : memref<32x64xf32, #tpu.memory_space<vmem>>, vector<1x16xf32>,
    %swap3A_417 = arith.constant 17 : i32
    %swap3A_418 = arith.index_cast %swap3A_417 : i32 to index
    %swap3A_419 = arith.constant 0 : index
    %swap3A_420 = tpu.vector_load %arg7[%swap3A_418, %swap3A_419] {strides = array<i32>} : memref<32x64xf32, #tpu.memory_space<vmem>>, vector<1x16xf32>,
    %swap3A_421 = vector.shape_cast %swap3A_420 : vector<1x16xf32> to vector<16xf32>
    %swap3A_422 = vector.shape_cast %broadcast_in_dim3A_9 : vector<16xf32> to vector<1x16xf32>
    tpu.vector_store %arg7[%swap3A_418, %swap3A_419], %swap3A_422 {strides = array<i32>} : memref<32x64xf32, #tpu.memory_space<vmem>>, vector<1x16xf32>,
    %swap3A_423 = arith.constant 17 : i32
    %swap3A_424 = arith.index_cast %swap3A_423 : i32 to index
    %swap3A_425 = arith.constant 16 : index
    %swap3A_426 = tpu.vector_load %arg7[%swap3A_424, %swap3A_425] {strides = array<i32>} : memref<32x64xf32, #tpu.memory_space<vmem>>, vector<1x16xf32>,
    %swap3A_427 = vector.shape_cast %swap3A_426 : vector<1x16xf32> to vector<16xf32>
    %swap3A_428 = vector.shape_cast %broadcast_in_dim3A_9 : vector<16xf32> to vector<1x16xf32>
    tpu.vector_store %arg7[%swap3A_424, %swap3A_425], %swap3A_428 {strides = array<i32>} : memref<32x64xf32, #tpu.memory_space<vmem>>, vector<1x16xf32>,
    %swap3A_429 = arith.constant 17 : i32
    %swap3A_430 = arith.index_cast %swap3A_429 : i32 to index
    %swap3A_431 = arith.constant 32 : index
    %swap3A_432 = tpu.vector_load %arg7[%swap3A_430, %swap3A_431] {strides = array<i32>} : memref<32x64xf32, #tpu.memory_space<vmem>>, vector<1x16xf32>,
    %swap3A_433 = vector.shape_cast %swap3A_432 : vector<1x16xf32> to vector<16xf32>
    %swap3A_434 = vector.shape_cast %broadcast_in_dim3A_9 : vector<16xf32> to vector<1x16xf32>
    tpu.vector_store %arg7[%swap3A_430, %swap3A_431], %swap3A_434 {strides = array<i32>} : memref<32x64xf32, #tpu.memory_space<vmem>>, vector<1x16xf32>,
    %swap3A_435 = arith.constant 17 : i32
    %swap3A_436 = arith.index_cast %swap3A_435 : i32 to index
    %swap3A_437 = arith.constant 48 : index
    %swap3A_438 = tpu.vector_load %arg7[%swap3A_436, %swap3A_437] {strides = array<i32>} : memref<32x64xf32, #tpu.memory_space<vmem>>, vector<1x16xf32>,
    %swap3A_439 = vector.shape_cast %swap3A_438 : vector<1x16xf32> to vector<16xf32>
    %swap3A_440 = vector.shape_cast %broadcast_in_dim3A_9 : vector<16xf32> to vector<1x16xf32>
    tpu.vector_store %arg7[%swap3A_436, %swap3A_437], %swap3A_440 {strides = array<i32>} : memref<32x64xf32, #tpu.memory_space<vmem>>, vector<1x16xf32>,
    %swap3A_441 = arith.constant 18 : i32
    %swap3A_442 = arith.index_cast %swap3A_441 : i32 to index
    %swap3A_443 = arith.constant 0 : index
    %swap3A_444 = tpu.vector_load %arg7[%swap3A_442, %swap3A_443] {strides = array<i32>} : memref<32x64xf32, #tpu.memory_space<vmem>>, vector<1x16xf32>,
    %swap3A_445 = vector.shape_cast %swap3A_444 : vector<1x16xf32> to vector<16xf32>
    %swap3A_446 = vector.shape_cast %broadcast_in_dim3A_9 : vector<16xf32> to vector<1x16xf32>
    tpu.vector_store %arg7[%swap3A_442, %swap3A_443], %swap3A_446 {strides = array<i32>} : memref<32x64xf32, #tpu.memory_space<vmem>>, vector<1x16xf32>,
    %swap3A_447 = arith.constant 18 : i32
    %swap3A_448 = arith.index_cast %swap3A_447 : i32 to index
    %swap3A_449 = arith.constant 16 : index
    %swap3A_450 = tpu.vector_load %arg7[%swap3A_448, %swap3A_449] {strides = array<i32>} : memref<32x64xf32, #tpu.memory_space<vmem>>, vector<1x16xf32>,
    %swap3A_451 = vector.shape_cast %swap3A_450 : vector<1x16xf32> to vector<16xf32>
    %swap3A_452 = vector.shape_cast %broadcast_in_dim3A_9 : vector<16xf32> to vector<1x16xf32>
    tpu.vector_store %arg7[%swap3A_448, %swap3A_449], %swap3A_452 {strides = array<i32>} : memref<32x64xf32, #tpu.memory_space<vmem>>, vector<1x16xf32>,
    %swap3A_453 = arith.constant 18 : i32
    %swap3A_454 = arith.index_cast %swap3A_453 : i32 to index
    %swap3A_455 = arith.constant 32 : index
    %swap3A_456 = tpu.vector_load %arg7[%swap3A_454, %swap3A_455] {strides = array<i32>} : memref<32x64xf32, #tpu.memory_space<vmem>>, vector<1x16xf32>,
    %swap3A_457 = vector.shape_cast %swap3A_456 : vector<1x16xf32> to vector<16xf32>
    %swap3A_458 = vector.shape_cast %broadcast_in_dim3A_9 : vector<16xf32> to vector<1x16xf32>
    tpu.vector_store %arg7[%swap3A_454, %swap3A_455], %swap3A_458 {strides = array<i32>} : memref<32x64xf32, #tpu.memory_space<vmem>>, vector<1x16xf32>,
    %swap3A_459 = arith.constant 18 : i32
    %swap3A_460 = arith.index_cast %swap3A_459 : i32 to index
    %swap3A_461 = arith.constant 48 : index
    %swap3A_462 = tpu.vector_load %arg7[%swap3A_460, %swap3A_461] {strides = array<i32>} : memref<32x64xf32, #tpu.memory_space<vmem>>, vector<1x16xf32>,
    %swap3A_463 = vector.shape_cast %swap3A_462 : vector<1x16xf32> to vector<16xf32>
    %swap3A_464 = vector.shape_cast %broadcast_in_dim3A_9 : vector<16xf32> to vector<1x16xf32>
    tpu.vector_store %arg7[%swap3A_460, %swap3A_461], %swap3A_464 {strides = array<i32>} : memref<32x64xf32, #tpu.memory_space<vmem>>, vector<1x16xf32>,
    %swap3A_465 = arith.constant 19 : i32
    %swap3A_466 = arith.index_cast %swap3A_465 : i32 to index
    %swap3A_467 = arith.constant 0 : index
    %swap3A_468 = tpu.vector_load %arg7[%swap3A_466, %swap3A_467] {strides = array<i32>} : memref<32x64xf32, #tpu.memory_space<vmem>>, vector<1x16xf32>,
    %swap3A_469 = vector.shape_cast %swap3A_468 : vector<1x16xf32> to vector<16xf32>
    %swap3A_470 = vector.shape_cast %broadcast_in_dim3A_9 : vector<16xf32> to vector<1x16xf32>
    tpu.vector_store %arg7[%swap3A_466, %swap3A_467], %swap3A_470 {strides = array<i32>} : memref<32x64xf32, #tpu.memory_space<vmem>>, vector<1x16xf32>,
    %swap3A_471 = arith.constant 19 : i32
    %swap3A_472 = arith.index_cast %swap3A_471 : i32 to index
    %swap3A_473 = arith.constant 16 : index
    %swap3A_474 = tpu.vector_load %arg7[%swap3A_472, %swap3A_473] {strides = array<i32>} : memref<32x64xf32, #tpu.memory_space<vmem>>, vector<1x16xf32>,
    %swap3A_475 = vector.shape_cast %swap3A_474 : vector<1x16xf32> to vector<16xf32>
    %swap3A_476 = vector.shape_cast %broadcast_in_dim3A_9 : vector<16xf32> to vector<1x16xf32>
    tpu.vector_store %arg7[%swap3A_472, %swap3A_473], %swap3A_476 {strides = array<i32>} : memref<32x64xf32, #tpu.memory_space<vmem>>, vector<1x16xf32>,
    %swap3A_477 = arith.constant 19 : i32
    %swap3A_478 = arith.index_cast %swap3A_477 : i32 to index
    %swap3A_479 = arith.constant 32 : index
    %swap3A_480 = tpu.vector_load %arg7[%swap3A_478, %swap3A_479] {strides = array<i32>} : memref<32x64xf32, #tpu.memory_space<vmem>>, vector<1x16xf32>,
    %swap3A_481 = vector.shape_cast %swap3A_480 : vector<1x16xf32> to vector<16xf32>
    %swap3A_482 = vector.shape_cast %broadcast_in_dim3A_9 : vector<16xf32> to vector<1x16xf32>
    tpu.vector_store %arg7[%swap3A_478, %swap3A_479], %swap3A_482 {strides = array<i32>} : memref<32x64xf32, #tpu.memory_space<vmem>>, vector<1x16xf32>,
    %swap3A_483 = arith.constant 19 : i32
    %swap3A_484 = arith.index_cast %swap3A_483 : i32 to index
    %swap3A_485 = arith.constant 48 : index
    %swap3A_486 = tpu.vector_load %arg7[%swap3A_484, %swap3A_485] {strides = array<i32>} : memref<32x64xf32, #tpu.memory_space<vmem>>, vector<1x16xf32>,
    %swap3A_487 = vector.shape_cast %swap3A_486 : vector<1x16xf32> to vector<16xf32>
    %swap3A_488 = vector.shape_cast %broadcast_in_dim3A_9 : vector<16xf32> to vector<1x16xf32>
    tpu.vector_store %arg7[%swap3A_484, %swap3A_485], %swap3A_488 {strides = array<i32>} : memref<32x64xf32, #tpu.memory_space<vmem>>, vector<1x16xf32>,
    %swap3A_489 = arith.constant 20 : i32
    %swap3A_490 = arith.index_cast %swap3A_489 : i32 to index
    %swap3A_491 = arith.constant 0 : index
    %swap3A_492 = tpu.vector_load %arg7[%swap3A_490, %swap3A_491] {strides = array<i32>} : memref<32x64xf32, #tpu.memory_space<vmem>>, vector<1x16xf32>,
    %swap3A_493 = vector.shape_cast %swap3A_492 : vector<1x16xf32> to vector<16xf32>
    %swap3A_494 = vector.shape_cast %broadcast_in_dim3A_9 : vector<16xf32> to vector<1x16xf32>
    tpu.vector_store %arg7[%swap3A_490, %swap3A_491], %swap3A_494 {strides = array<i32>} : memref<32x64xf32, #tpu.memory_space<vmem>>, vector<1x16xf32>,
    %swap3A_495 = arith.constant 20 : i32
    %swap3A_496 = arith.index_cast %swap3A_495 : i32 to index
    %swap3A_497 = arith.constant 16 : index
    %swap3A_498 = tpu.vector_load %arg7[%swap3A_496, %swap3A_497] {strides = array<i32>} : memref<32x64xf32, #tpu.memory_space<vmem>>, vector<1x16xf32>,
    %swap3A_499 = vector.shape_cast %swap3A_498 : vector<1x16xf32> to vector<16xf32>
    %swap3A_500 = vector.shape_cast %broadcast_in_dim3A_9 : vector<16xf32> to vector<1x16xf32>
    tpu.vector_store %arg7[%swap3A_496, %swap3A_497], %swap3A_500 {strides = array<i32>} : memref<32x64xf32, #tpu.memory_space<vmem>>, vector<1x16xf32>,
    %swap3A_501 = arith.constant 20 : i32
    %swap3A_502 = arith.index_cast %swap3A_501 : i32 to index
    %swap3A_503 = arith.constant 32 : index
    %swap3A_504 = tpu.vector_load %arg7[%swap3A_502, %swap3A_503] {strides = array<i32>} : memref<32x64xf32, #tpu.memory_space<vmem>>, vector<1x16xf32>,
    %swap3A_505 = vector.shape_cast %swap3A_504 : vector<1x16xf32> to vector<16xf32>
    %swap3A_506 = vector.shape_cast %broadcast_in_dim3A_9 : vector<16xf32> to vector<1x16xf32>
    tpu.vector_store %arg7[%swap3A_502, %swap3A_503], %swap3A_506 {strides = array<i32>} : memref<32x64xf32, #tpu.memory_space<vmem>>, vector<1x16xf32>,
    %swap3A_507 = arith.constant 20 : i32
    %swap3A_508 = arith.index_cast %swap3A_507 : i32 to index
    %swap3A_509 = arith.constant 48 : index
    %swap3A_510 = tpu.vector_load %arg7[%swap3A_508, %swap3A_509] {strides = array<i32>} : memref<32x64xf32, #tpu.memory_space<vmem>>, vector<1x16xf32>,
    %swap3A_511 = vector.shape_cast %swap3A_510 : vector<1x16xf32> to vector<16xf32>
    %swap3A_512 = vector.shape_cast %broadcast_in_dim3A_9 : vector<16xf32> to vector<1x16xf32>
    tpu.vector_store %arg7[%swap3A_508, %swap3A_509], %swap3A_512 {strides = array<i32>} : memref<32x64xf32, #tpu.memory_space<vmem>>, vector<1x16xf32>,
    %swap3A_513 = arith.constant 21 : i32
    %swap3A_514 = arith.index_cast %swap3A_513 : i32 to index
    %swap3A_515 = arith.constant 0 : index
    %swap3A_516 = tpu.vector_load %arg7[%swap3A_514, %swap3A_515] {strides = array<i32>} : memref<32x64xf32, #tpu.memory_space<vmem>>, vector<1x16xf32>,
    %swap3A_517 = vector.shape_cast %swap3A_516 : vector<1x16xf32> to vector<16xf32>
    %swap3A_518 = vector.shape_cast %broadcast_in_dim3A_9 : vector<16xf32> to vector<1x16xf32>
    tpu.vector_store %arg7[%swap3A_514, %swap3A_515], %swap3A_518 {strides = array<i32>} : memref<32x64xf32, #tpu.memory_space<vmem>>, vector<1x16xf32>,
    %swap3A_519 = arith.constant 21 : i32
    %swap3A_520 = arith.index_cast %swap3A_519 : i32 to index
    %swap3A_521 = arith.constant 16 : index
    %swap3A_522 = tpu.vector_load %arg7[%swap3A_520, %swap3A_521] {strides = array<i32>} : memref<32x64xf32, #tpu.memory_space<vmem>>, vector<1x16xf32>,
    %swap3A_523 = vector.shape_cast %swap3A_522 : vector<1x16xf32> to vector<16xf32>
    %swap3A_524 = vector.shape_cast %broadcast_in_dim3A_9 : vector<16xf32> to vector<1x16xf32>
    tpu.vector_store %arg7[%swap3A_520, %swap3A_521], %swap3A_524 {strides = array<i32>} : memref<32x64xf32, #tpu.memory_space<vmem>>, vector<1x16xf32>,
    %swap3A_525 = arith.constant 21 : i32
    %swap3A_526 = arith.index_cast %swap3A_525 : i32 to index
    %swap3A_527 = arith.constant 32 : index
    %swap3A_528 = tpu.vector_load %arg7[%swap3A_526, %swap3A_527] {strides = array<i32>} : memref<32x64xf32, #tpu.memory_space<vmem>>, vector<1x16xf32>,
    %swap3A_529 = vector.shape_cast %swap3A_528 : vector<1x16xf32> to vector<16xf32>
    %swap3A_530 = vector.shape_cast %broadcast_in_dim3A_9 : vector<16xf32> to vector<1x16xf32>
    tpu.vector_store %arg7[%swap3A_526, %swap3A_527], %swap3A_530 {strides = array<i32>} : memref<32x64xf32, #tpu.memory_space<vmem>>, vector<1x16xf32>,
    %swap3A_531 = arith.constant 21 : i32
    %swap3A_532 = arith.index_cast %swap3A_531 : i32 to index
    %swap3A_533 = arith.constant 48 : index
    %swap3A_534 = tpu.vector_load %arg7[%swap3A_532, %swap3A_533] {strides = array<i32>} : memref<32x64xf32, #tpu.memory_space<vmem>>, vector<1x16xf32>,
    %swap3A_535 = vector.shape_cast %swap3A_534 : vector<1x16xf32> to vector<16xf32>
    %swap3A_536 = vector.shape_cast %broadcast_in_dim3A_9 : vector<16xf32> to vector<1x16xf32>
    tpu.vector_store %arg7[%swap3A_532, %swap3A_533], %swap3A_536 {strides = array<i32>} : memref<32x64xf32, #tpu.memory_space<vmem>>, vector<1x16xf32>,
    %swap3A_537 = arith.constant 22 : i32
    %swap3A_538 = arith.index_cast %swap3A_537 : i32 to index
    %swap3A_539 = arith.constant 0 : index
    %swap3A_540 = tpu.vector_load %arg7[%swap3A_538, %swap3A_539] {strides = array<i32>} : memref<32x64xf32, #tpu.memory_space<vmem>>, vector<1x16xf32>,
    %swap3A_541 = vector.shape_cast %swap3A_540 : vector<1x16xf32> to vector<16xf32>
    %swap3A_542 = vector.shape_cast %broadcast_in_dim3A_9 : vector<16xf32> to vector<1x16xf32>
    tpu.vector_store %arg7[%swap3A_538, %swap3A_539], %swap3A_542 {strides = array<i32>} : memref<32x64xf32, #tpu.memory_space<vmem>>, vector<1x16xf32>,
    %swap3A_543 = arith.constant 22 : i32
    %swap3A_544 = arith.index_cast %swap3A_543 : i32 to index
    %swap3A_545 = arith.constant 16 : index
    %swap3A_546 = tpu.vector_load %arg7[%swap3A_544, %swap3A_545] {strides = array<i32>} : memref<32x64xf32, #tpu.memory_space<vmem>>, vector<1x16xf32>,
    %swap3A_547 = vector.shape_cast %swap3A_546 : vector<1x16xf32> to vector<16xf32>
    %swap3A_548 = vector.shape_cast %broadcast_in_dim3A_9 : vector<16xf32> to vector<1x16xf32>
    tpu.vector_store %arg7[%swap3A_544, %swap3A_545], %swap3A_548 {strides = array<i32>} : memref<32x64xf32, #tpu.memory_space<vmem>>, vector<1x16xf32>,
    %swap3A_549 = arith.constant 22 : i32
    %swap3A_550 = arith.index_cast %swap3A_549 : i32 to index
    %swap3A_551 = arith.constant 32 : index
    %swap3A_552 = tpu.vector_load %arg7[%swap3A_550, %swap3A_551] {strides = array<i32>} : memref<32x64xf32, #tpu.memory_space<vmem>>, vector<1x16xf32>,
    %swap3A_553 = vector.shape_cast %swap3A_552 : vector<1x16xf32> to vector<16xf32>
    %swap3A_554 = vector.shape_cast %broadcast_in_dim3A_9 : vector<16xf32> to vector<1x16xf32>
    tpu.vector_store %arg7[%swap3A_550, %swap3A_551], %swap3A_554 {strides = array<i32>} : memref<32x64xf32, #tpu.memory_space<vmem>>, vector<1x16xf32>,
    %swap3A_555 = arith.constant 22 : i32
    %swap3A_556 = arith.index_cast %swap3A_555 : i32 to index
    %swap3A_557 = arith.constant 48 : index
    %swap3A_558 = tpu.vector_load %arg7[%swap3A_556, %swap3A_557] {strides = array<i32>} : memref<32x64xf32, #tpu.memory_space<vmem>>, vector<1x16xf32>,
    %swap3A_559 = vector.shape_cast %swap3A_558 : vector<1x16xf32> to vector<16xf32>
    %swap3A_560 = vector.shape_cast %broadcast_in_dim3A_9 : vector<16xf32> to vector<1x16xf32>
    tpu.vector_store %arg7[%swap3A_556, %swap3A_557], %swap3A_560 {strides = array<i32>} : memref<32x64xf32, #tpu.memory_space<vmem>>, vector<1x16xf32>,
    %swap3A_561 = arith.constant 23 : i32
    %swap3A_562 = arith.index_cast %swap3A_561 : i32 to index
    %swap3A_563 = arith.constant 0 : index
    %swap3A_564 = tpu.vector_load %arg7[%swap3A_562, %swap3A_563] {strides = array<i32>} : memref<32x64xf32, #tpu.memory_space<vmem>>, vector<1x16xf32>,
    %swap3A_565 = vector.shape_cast %swap3A_564 : vector<1x16xf32> to vector<16xf32>
    %swap3A_566 = vector.shape_cast %broadcast_in_dim3A_9 : vector<16xf32> to vector<1x16xf32>
    tpu.vector_store %arg7[%swap3A_562, %swap3A_563], %swap3A_566 {strides = array<i32>} : memref<32x64xf32, #tpu.memory_space<vmem>>, vector<1x16xf32>,
    %swap3A_567 = arith.constant 23 : i32
    %swap3A_568 = arith.index_cast %swap3A_567 : i32 to index
    %swap3A_569 = arith.constant 16 : index
    %swap3A_570 = tpu.vector_load %arg7[%swap3A_568, %swap3A_569] {strides = array<i32>} : memref<32x64xf32, #tpu.memory_space<vmem>>, vector<1x16xf32>,
    %swap3A_571 = vector.shape_cast %swap3A_570 : vector<1x16xf32> to vector<16xf32>
    %swap3A_572 = vector.shape_cast %broadcast_in_dim3A_9 : vector<16xf32> to vector<1x16xf32>
    tpu.vector_store %arg7[%swap3A_568, %swap3A_569], %swap3A_572 {strides = array<i32>} : memref<32x64xf32, #tpu.memory_space<vmem>>, vector<1x16xf32>,
    %swap3A_573 = arith.constant 23 : i32
    %swap3A_574 = arith.index_cast %swap3A_573 : i32 to index
    %swap3A_575 = arith.constant 32 : index
    %swap3A_576 = tpu.vector_load %arg7[%swap3A_574, %swap3A_575] {strides = array<i32>} : memref<32x64xf32, #tpu.memory_space<vmem>>, vector<1x16xf32>,
    %swap3A_577 = vector.shape_cast %swap3A_576 : vector<1x16xf32> to vector<16xf32>
    %swap3A_578 = vector.shape_cast %broadcast_in_dim3A_9 : vector<16xf32> to vector<1x16xf32>
    tpu.vector_store %arg7[%swap3A_574, %swap3A_575], %swap3A_578 {strides = array<i32>} : memref<32x64xf32, #tpu.memory_space<vmem>>, vector<1x16xf32>,
    %swap3A_579 = arith.constant 23 : i32
    %swap3A_580 = arith.index_cast %swap3A_579 : i32 to index
    %swap3A_581 = arith.constant 48 : index
    %swap3A_582 = tpu.vector_load %arg7[%swap3A_580, %swap3A_581] {strides = array<i32>} : memref<32x64xf32, #tpu.memory_space<vmem>>, vector<1x16xf32>,
    %swap3A_583 = vector.shape_cast %swap3A_582 : vector<1x16xf32> to vector<16xf32>
    %swap3A_584 = vector.shape_cast %broadcast_in_dim3A_9 : vector<16xf32> to vector<1x16xf32>
    tpu.vector_store %arg7[%swap3A_580, %swap3A_581], %swap3A_584 {strides = array<i32>} : memref<32x64xf32, #tpu.memory_space<vmem>>, vector<1x16xf32>,
    %swap3A_585 = arith.constant 24 : i32
    %swap3A_586 = arith.index_cast %swap3A_585 : i32 to index
    %swap3A_587 = arith.constant 0 : index
    %swap3A_588 = tpu.vector_load %arg7[%swap3A_586, %swap3A_587] {strides = array<i32>} : memref<32x64xf32, #tpu.memory_space<vmem>>, vector<1x16xf32>,
    %swap3A_589 = vector.shape_cast %swap3A_588 : vector<1x16xf32> to vector<16xf32>
    %swap3A_590 = vector.shape_cast %broadcast_in_dim3A_9 : vector<16xf32> to vector<1x16xf32>
    tpu.vector_store %arg7[%swap3A_586, %swap3A_587], %swap3A_590 {strides = array<i32>} : memref<32x64xf32, #tpu.memory_space<vmem>>, vector<1x16xf32>,
    %swap3A_591 = arith.constant 24 : i32
    %swap3A_592 = arith.index_cast %swap3A_591 : i32 to index
    %swap3A_593 = arith.constant 16 : index
    %swap3A_594 = tpu.vector_load %arg7[%swap3A_592, %swap3A_593] {strides = array<i32>} : memref<32x64xf32, #tpu.memory_space<vmem>>, vector<1x16xf32>,
    %swap3A_595 = vector.shape_cast %swap3A_594 : vector<1x16xf32> to vector<16xf32>
    %swap3A_596 = vector.shape_cast %broadcast_in_dim3A_9 : vector<16xf32> to vector<1x16xf32>
    tpu.vector_store %arg7[%swap3A_592, %swap3A_593], %swap3A_596 {strides = array<i32>} : memref<32x64xf32, #tpu.memory_space<vmem>>, vector<1x16xf32>,
    %swap3A_597 = arith.constant 24 : i32
    %swap3A_598 = arith.index_cast %swap3A_597 : i32 to index
    %swap3A_599 = arith.constant 32 : index
    %swap3A_600 = tpu.vector_load %arg7[%swap3A_598, %swap3A_599] {strides = array<i32>} : memref<32x64xf32, #tpu.memory_space<vmem>>, vector<1x16xf32>,
    %swap3A_601 = vector.shape_cast %swap3A_600 : vector<1x16xf32> to vector<16xf32>
    %swap3A_602 = vector.shape_cast %broadcast_in_dim3A_9 : vector<16xf32> to vector<1x16xf32>
    tpu.vector_store %arg7[%swap3A_598, %swap3A_599], %swap3A_602 {strides = array<i32>} : memref<32x64xf32, #tpu.memory_space<vmem>>, vector<1x16xf32>,
    %swap3A_603 = arith.constant 24 : i32
    %swap3A_604 = arith.index_cast %swap3A_603 : i32 to index
    %swap3A_605 = arith.constant 48 : index
    %swap3A_606 = tpu.vector_load %arg7[%swap3A_604, %swap3A_605] {strides = array<i32>} : memref<32x64xf32, #tpu.memory_space<vmem>>, vector<1x16xf32>,
    %swap3A_607 = vector.shape_cast %swap3A_606 : vector<1x16xf32> to vector<16xf32>
    %swap3A_608 = vector.shape_cast %broadcast_in_dim3A_9 : vector<16xf32> to vector<1x16xf32>
    tpu.vector_store %arg7[%swap3A_604, %swap3A_605], %swap3A_608 {strides = array<i32>} : memref<32x64xf32, #tpu.memory_space<vmem>>, vector<1x16xf32>,
    %swap3A_609 = arith.constant 25 : i32
    %swap3A_610 = arith.index_cast %swap3A_609 : i32 to index
    %swap3A_611 = arith.constant 0 : index
    %swap3A_612 = tpu.vector_load %arg7[%swap3A_610, %swap3A_611] {strides = array<i32>} : memref<32x64xf32, #tpu.memory_space<vmem>>, vector<1x16xf32>,
    %swap3A_613 = vector.shape_cast %swap3A_612 : vector<1x16xf32> to vector<16xf32>
    %swap3A_614 = vector.shape_cast %broadcast_in_dim3A_9 : vector<16xf32> to vector<1x16xf32>
    tpu.vector_store %arg7[%swap3A_610, %swap3A_611], %swap3A_614 {strides = array<i32>} : memref<32x64xf32, #tpu.memory_space<vmem>>, vector<1x16xf32>,
    %swap3A_615 = arith.constant 25 : i32
    %swap3A_616 = arith.index_cast %swap3A_615 : i32 to index
    %swap3A_617 = arith.constant 16 : index
    %swap3A_618 = tpu.vector_load %arg7[%swap3A_616, %swap3A_617] {strides = array<i32>} : memref<32x64xf32, #tpu.memory_space<vmem>>, vector<1x16xf32>,
    %swap3A_619 = vector.shape_cast %swap3A_618 : vector<1x16xf32> to vector<16xf32>
    %swap3A_620 = vector.shape_cast %broadcast_in_dim3A_9 : vector<16xf32> to vector<1x16xf32>
    tpu.vector_store %arg7[%swap3A_616, %swap3A_617], %swap3A_620 {strides = array<i32>} : memref<32x64xf32, #tpu.memory_space<vmem>>, vector<1x16xf32>,
    %swap3A_621 = arith.constant 25 : i32
    %swap3A_622 = arith.index_cast %swap3A_621 : i32 to index
    %swap3A_623 = arith.constant 32 : index
    %swap3A_624 = tpu.vector_load %arg7[%swap3A_622, %swap3A_623] {strides = array<i32>} : memref<32x64xf32, #tpu.memory_space<vmem>>, vector<1x16xf32>,
    %swap3A_625 = vector.shape_cast %swap3A_624 : vector<1x16xf32> to vector<16xf32>
    %swap3A_626 = vector.shape_cast %broadcast_in_dim3A_9 : vector<16xf32> to vector<1x16xf32>
    tpu.vector_store %arg7[%swap3A_622, %swap3A_623], %swap3A_626 {strides = array<i32>} : memref<32x64xf32, #tpu.memory_space<vmem>>, vector<1x16xf32>,
    %swap3A_627 = arith.constant 25 : i32
    %swap3A_628 = arith.index_cast %swap3A_627 : i32 to index
    %swap3A_629 = arith.constant 48 : index
    %swap3A_630 = tpu.vector_load %arg7[%swap3A_628, %swap3A_629] {strides = array<i32>} : memref<32x64xf32, #tpu.memory_space<vmem>>, vector<1x16xf32>,
    %swap3A_631 = vector.shape_cast %swap3A_630 : vector<1x16xf32> to vector<16xf32>
    %swap3A_632 = vector.shape_cast %broadcast_in_dim3A_9 : vector<16xf32> to vector<1x16xf32>
    tpu.vector_store %arg7[%swap3A_628, %swap3A_629], %swap3A_632 {strides = array<i32>} : memref<32x64xf32, #tpu.memory_space<vmem>>, vector<1x16xf32>,
    %swap3A_633 = arith.constant 26 : i32
    %swap3A_634 = arith.index_cast %swap3A_633 : i32 to index
    %swap3A_635 = arith.constant 0 : index
    %swap3A_636 = tpu.vector_load %arg7[%swap3A_634, %swap3A_635] {strides = array<i32>} : memref<32x64xf32, #tpu.memory_space<vmem>>, vector<1x16xf32>,
    %swap3A_637 = vector.shape_cast %swap3A_636 : vector<1x16xf32> to vector<16xf32>
    %swap3A_638 = vector.shape_cast %broadcast_in_dim3A_9 : vector<16xf32> to vector<1x16xf32>
    tpu.vector_store %arg7[%swap3A_634, %swap3A_635], %swap3A_638 {strides = array<i32>} : memref<32x64xf32, #tpu.memory_space<vmem>>, vector<1x16xf32>,
    %swap3A_639 = arith.constant 26 : i32
    %swap3A_640 = arith.index_cast %swap3A_639 : i32 to index
    %swap3A_641 = arith.constant 16 : index
    %swap3A_642 = tpu.vector_load %arg7[%swap3A_640, %swap3A_641] {strides = array<i32>} : memref<32x64xf32, #tpu.memory_space<vmem>>, vector<1x16xf32>,
    %swap3A_643 = vector.shape_cast %swap3A_642 : vector<1x16xf32> to vector<16xf32>
    %swap3A_644 = vector.shape_cast %broadcast_in_dim3A_9 : vector<16xf32> to vector<1x16xf32>
    tpu.vector_store %arg7[%swap3A_640, %swap3A_641], %swap3A_644 {strides = array<i32>} : memref<32x64xf32, #tpu.memory_space<vmem>>, vector<1x16xf32>,
    %swap3A_645 = arith.constant 26 : i32
    %swap3A_646 = arith.index_cast %swap3A_645 : i32 to index
    %swap3A_647 = arith.constant 32 : index
    %swap3A_648 = tpu.vector_load %arg7[%swap3A_646, %swap3A_647] {strides = array<i32>} : memref<32x64xf32, #tpu.memory_space<vmem>>, vector<1x16xf32>,
    %swap3A_649 = vector.shape_cast %swap3A_648 : vector<1x16xf32> to vector<16xf32>
    %swap3A_650 = vector.shape_cast %broadcast_in_dim3A_9 : vector<16xf32> to vector<1x16xf32>
    tpu.vector_store %arg7[%swap3A_646, %swap3A_647], %swap3A_650 {strides = array<i32>} : memref<32x64xf32, #tpu.memory_space<vmem>>, vector<1x16xf32>,
    %swap3A_651 = arith.constant 26 : i32
    %swap3A_652 = arith.index_cast %swap3A_651 : i32 to index
    %swap3A_653 = arith.constant 48 : index
    %swap3A_654 = tpu.vector_load %arg7[%swap3A_652, %swap3A_653] {strides = array<i32>} : memref<32x64xf32, #tpu.memory_space<vmem>>, vector<1x16xf32>,
    %swap3A_655 = vector.shape_cast %swap3A_654 : vector<1x16xf32> to vector<16xf32>
    %swap3A_656 = vector.shape_cast %broadcast_in_dim3A_9 : vector<16xf32> to vector<1x16xf32>
    tpu.vector_store %arg7[%swap3A_652, %swap3A_653], %swap3A_656 {strides = array<i32>} : memref<32x64xf32, #tpu.memory_space<vmem>>, vector<1x16xf32>,
    %swap3A_657 = arith.constant 27 : i32
    %swap3A_658 = arith.index_cast %swap3A_657 : i32 to index
    %swap3A_659 = arith.constant 0 : index
    %swap3A_660 = tpu.vector_load %arg7[%swap3A_658, %swap3A_659] {strides = array<i32>} : memref<32x64xf32, #tpu.memory_space<vmem>>, vector<1x16xf32>,
    %swap3A_661 = vector.shape_cast %swap3A_660 : vector<1x16xf32> to vector<16xf32>
    %swap3A_662 = vector.shape_cast %broadcast_in_dim3A_9 : vector<16xf32> to vector<1x16xf32>
    tpu.vector_store %arg7[%swap3A_658, %swap3A_659], %swap3A_662 {strides = array<i32>} : memref<32x64xf32, #tpu.memory_space<vmem>>, vector<1x16xf32>,
    %swap3A_663 = arith.constant 27 : i32
    %swap3A_664 = arith.index_cast %swap3A_663 : i32 to index
    %swap3A_665 = arith.constant 16 : index
    %swap3A_666 = tpu.vector_load %arg7[%swap3A_664, %swap3A_665] {strides = array<i32>} : memref<32x64xf32, #tpu.memory_space<vmem>>, vector<1x16xf32>,
    %swap3A_667 = vector.shape_cast %swap3A_666 : vector<1x16xf32> to vector<16xf32>
    %swap3A_668 = vector.shape_cast %broadcast_in_dim3A_9 : vector<16xf32> to vector<1x16xf32>
    tpu.vector_store %arg7[%swap3A_664, %swap3A_665], %swap3A_668 {strides = array<i32>} : memref<32x64xf32, #tpu.memory_space<vmem>>, vector<1x16xf32>,
    %swap3A_669 = arith.constant 27 : i32
    %swap3A_670 = arith.index_cast %swap3A_669 : i32 to index
    %swap3A_671 = arith.constant 32 : index
    %swap3A_672 = tpu.vector_load %arg7[%swap3A_670, %swap3A_671] {strides = array<i32>} : memref<32x64xf32, #tpu.memory_space<vmem>>, vector<1x16xf32>,
    %swap3A_673 = vector.shape_cast %swap3A_672 : vector<1x16xf32> to vector<16xf32>
    %swap3A_674 = vector.shape_cast %broadcast_in_dim3A_9 : vector<16xf32> to vector<1x16xf32>
    tpu.vector_store %arg7[%swap3A_670, %swap3A_671], %swap3A_674 {strides = array<i32>} : memref<32x64xf32, #tpu.memory_space<vmem>>, vector<1x16xf32>,
    %swap3A_675 = arith.constant 27 : i32
    %swap3A_676 = arith.index_cast %swap3A_675 : i32 to index
    %swap3A_677 = arith.constant 48 : index
    %swap3A_678 = tpu.vector_load %arg7[%swap3A_676, %swap3A_677] {strides = array<i32>} : memref<32x64xf32, #tpu.memory_space<vmem>>, vector<1x16xf32>,
    %swap3A_679 = vector.shape_cast %swap3A_678 : vector<1x16xf32> to vector<16xf32>
    %swap3A_680 = vector.shape_cast %broadcast_in_dim3A_9 : vector<16xf32> to vector<1x16xf32>
    tpu.vector_store %arg7[%swap3A_676, %swap3A_677], %swap3A_680 {strides = array<i32>} : memref<32x64xf32, #tpu.memory_space<vmem>>, vector<1x16xf32>,
    %swap3A_681 = arith.constant 28 : i32
    %swap3A_682 = arith.index_cast %swap3A_681 : i32 to index
    %swap3A_683 = arith.constant 0 : index
    %swap3A_684 = tpu.vector_load %arg7[%swap3A_682, %swap3A_683] {strides = array<i32>} : memref<32x64xf32, #tpu.memory_space<vmem>>, vector<1x16xf32>,
    %swap3A_685 = vector.shape_cast %swap3A_684 : vector<1x16xf32> to vector<16xf32>
    %swap3A_686 = vector.shape_cast %broadcast_in_dim3A_9 : vector<16xf32> to vector<1x16xf32>
    tpu.vector_store %arg7[%swap3A_682, %swap3A_683], %swap3A_686 {strides = array<i32>} : memref<32x64xf32, #tpu.memory_space<vmem>>, vector<1x16xf32>,
    %swap3A_687 = arith.constant 28 : i32
    %swap3A_688 = arith.index_cast %swap3A_687 : i32 to index
    %swap3A_689 = arith.constant 16 : index
    %swap3A_690 = tpu.vector_load %arg7[%swap3A_688, %swap3A_689] {strides = array<i32>} : memref<32x64xf32, #tpu.memory_space<vmem>>, vector<1x16xf32>,
    %swap3A_691 = vector.shape_cast %swap3A_690 : vector<1x16xf32> to vector<16xf32>
    %swap3A_692 = vector.shape_cast %broadcast_in_dim3A_9 : vector<16xf32> to vector<1x16xf32>
    tpu.vector_store %arg7[%swap3A_688, %swap3A_689], %swap3A_692 {strides = array<i32>} : memref<32x64xf32, #tpu.memory_space<vmem>>, vector<1x16xf32>,
    %swap3A_693 = arith.constant 28 : i32
    %swap3A_694 = arith.index_cast %swap3A_693 : i32 to index
    %swap3A_695 = arith.constant 32 : index
    %swap3A_696 = tpu.vector_load %arg7[%swap3A_694, %swap3A_695] {strides = array<i32>} : memref<32x64xf32, #tpu.memory_space<vmem>>, vector<1x16xf32>,
    %swap3A_697 = vector.shape_cast %swap3A_696 : vector<1x16xf32> to vector<16xf32>
    %swap3A_698 = vector.shape_cast %broadcast_in_dim3A_9 : vector<16xf32> to vector<1x16xf32>
    tpu.vector_store %arg7[%swap3A_694, %swap3A_695], %swap3A_698 {strides = array<i32>} : memref<32x64xf32, #tpu.memory_space<vmem>>, vector<1x16xf32>,
    %swap3A_699 = arith.constant 28 : i32
    %swap3A_700 = arith.index_cast %swap3A_699 : i32 to index
    %swap3A_701 = arith.constant 48 : index
    %swap3A_702 = tpu.vector_load %arg7[%swap3A_700, %swap3A_701] {strides = array<i32>} : memref<32x64xf32, #tpu.memory_space<vmem>>, vector<1x16xf32>,
    %swap3A_703 = vector.shape_cast %swap3A_702 : vector<1x16xf32> to vector<16xf32>
    %swap3A_704 = vector.shape_cast %broadcast_in_dim3A_9 : vector<16xf32> to vector<1x16xf32>
    tpu.vector_store %arg7[%swap3A_700, %swap3A_701], %swap3A_704 {strides = array<i32>} : memref<32x64xf32, #tpu.memory_space<vmem>>, vector<1x16xf32>,
    %swap3A_705 = arith.constant 29 : i32
    %swap3A_706 = arith.index_cast %swap3A_705 : i32 to index
    %swap3A_707 = arith.constant 0 : index
    %swap3A_708 = tpu.vector_load %arg7[%swap3A_706, %swap3A_707] {strides = array<i32>} : memref<32x64xf32, #tpu.memory_space<vmem>>, vector<1x16xf32>,
    %swap3A_709 = vector.shape_cast %swap3A_708 : vector<1x16xf32> to vector<16xf32>
    %swap3A_710 = vector.shape_cast %broadcast_in_dim3A_9 : vector<16xf32> to vector<1x16xf32>
    tpu.vector_store %arg7[%swap3A_706, %swap3A_707], %swap3A_710 {strides = array<i32>} : memref<32x64xf32, #tpu.memory_space<vmem>>, vector<1x16xf32>,
    %swap3A_711 = arith.constant 29 : i32
    %swap3A_712 = arith.index_cast %swap3A_711 : i32 to index
    %swap3A_713 = arith.constant 16 : index
    %swap3A_714 = tpu.vector_load %arg7[%swap3A_712, %swap3A_713] {strides = array<i32>} : memref<32x64xf32, #tpu.memory_space<vmem>>, vector<1x16xf32>,
    %swap3A_715 = vector.shape_cast %swap3A_714 : vector<1x16xf32> to vector<16xf32>
    %swap3A_716 = vector.shape_cast %broadcast_in_dim3A_9 : vector<16xf32> to vector<1x16xf32>
    tpu.vector_store %arg7[%swap3A_712, %swap3A_713], %swap3A_716 {strides = array<i32>} : memref<32x64xf32, #tpu.memory_space<vmem>>, vector<1x16xf32>,
    %swap3A_717 = arith.constant 29 : i32
    %swap3A_718 = arith.index_cast %swap3A_717 : i32 to index
    %swap3A_719 = arith.constant 32 : index
    %swap3A_720 = tpu.vector_load %arg7[%swap3A_718, %swap3A_719] {strides = array<i32>} : memref<32x64xf32, #tpu.memory_space<vmem>>, vector<1x16xf32>,
    %swap3A_721 = vector.shape_cast %swap3A_720 : vector<1x16xf32> to vector<16xf32>
    %swap3A_722 = vector.shape_cast %broadcast_in_dim3A_9 : vector<16xf32> to vector<1x16xf32>
    tpu.vector_store %arg7[%swap3A_718, %swap3A_719], %swap3A_722 {strides = array<i32>} : memref<32x64xf32, #tpu.memory_space<vmem>>, vector<1x16xf32>,
    %swap3A_723 = arith.constant 29 : i32
    %swap3A_724 = arith.index_cast %swap3A_723 : i32 to index
    %swap3A_725 = arith.constant 48 : index
    %swap3A_726 = tpu.vector_load %arg7[%swap3A_724, %swap3A_725] {strides = array<i32>} : memref<32x64xf32, #tpu.memory_space<vmem>>, vector<1x16xf32>,
    %swap3A_727 = vector.shape_cast %swap3A_726 : vector<1x16xf32> to vector<16xf32>
    %swap3A_728 = vector.shape_cast %broadcast_in_dim3A_9 : vector<16xf32> to vector<1x16xf32>
    tpu.vector_store %arg7[%swap3A_724, %swap3A_725], %swap3A_728 {strides = array<i32>} : memref<32x64xf32, #tpu.memory_space<vmem>>, vector<1x16xf32>,
    %swap3A_729 = arith.constant 30 : i32
    %swap3A_730 = arith.index_cast %swap3A_729 : i32 to index
    %swap3A_731 = arith.constant 0 : index
    %swap3A_732 = tpu.vector_load %arg7[%swap3A_730, %swap3A_731] {strides = array<i32>} : memref<32x64xf32, #tpu.memory_space<vmem>>, vector<1x16xf32>,
    %swap3A_733 = vector.shape_cast %swap3A_732 : vector<1x16xf32> to vector<16xf32>
    %swap3A_734 = vector.shape_cast %broadcast_in_dim3A_9 : vector<16xf32> to vector<1x16xf32>
    tpu.vector_store %arg7[%swap3A_730, %swap3A_731], %swap3A_734 {strides = array<i32>} : memref<32x64xf32, #tpu.memory_space<vmem>>, vector<1x16xf32>,
    %swap3A_735 = arith.constant 30 : i32
    %swap3A_736 = arith.index_cast %swap3A_735 : i32 to index
    %swap3A_737 = arith.constant 16 : index
    %swap3A_738 = tpu.vector_load %arg7[%swap3A_736, %swap3A_737] {strides = array<i32>} : memref<32x64xf32, #tpu.memory_space<vmem>>, vector<1x16xf32>,
    %swap3A_739 = vector.shape_cast %swap3A_738 : vector<1x16xf32> to vector<16xf32>
    %swap3A_740 = vector.shape_cast %broadcast_in_dim3A_9 : vector<16xf32> to vector<1x16xf32>
    tpu.vector_store %arg7[%swap3A_736, %swap3A_737], %swap3A_740 {strides = array<i32>} : memref<32x64xf32, #tpu.memory_space<vmem>>, vector<1x16xf32>,
    %swap3A_741 = arith.constant 30 : i32
    %swap3A_742 = arith.index_cast %swap3A_741 : i32 to index
    %swap3A_743 = arith.constant 32 : index
    %swap3A_744 = tpu.vector_load %arg7[%swap3A_742, %swap3A_743] {strides = array<i32>} : memref<32x64xf32, #tpu.memory_space<vmem>>, vector<1x16xf32>,
    %swap3A_745 = vector.shape_cast %swap3A_744 : vector<1x16xf32> to vector<16xf32>
    %swap3A_746 = vector.shape_cast %broadcast_in_dim3A_9 : vector<16xf32> to vector<1x16xf32>
    tpu.vector_store %arg7[%swap3A_742, %swap3A_743], %swap3A_746 {strides = array<i32>} : memref<32x64xf32, #tpu.memory_space<vmem>>, vector<1x16xf32>,
    %swap3A_747 = arith.constant 30 : i32
    %swap3A_748 = arith.index_cast %swap3A_747 : i32 to index
    %swap3A_749 = arith.constant 48 : index
    %swap3A_750 = tpu.vector_load %arg7[%swap3A_748, %swap3A_749] {strides = array<i32>} : memref<32x64xf32, #tpu.memory_space<vmem>>, vector<1x16xf32>,
    %swap3A_751 = vector.shape_cast %swap3A_750 : vector<1x16xf32> to vector<16xf32>
    %swap3A_752 = vector.shape_cast %broadcast_in_dim3A_9 : vector<16xf32> to vector<1x16xf32>
    tpu.vector_store %arg7[%swap3A_748, %swap3A_749], %swap3A_752 {strides = array<i32>} : memref<32x64xf32, #tpu.memory_space<vmem>>, vector<1x16xf32>,
    %swap3A_753 = arith.constant 31 : i32
    %swap3A_754 = arith.index_cast %swap3A_753 : i32 to index
    %swap3A_755 = arith.constant 0 : index
    %swap3A_756 = tpu.vector_load %arg7[%swap3A_754, %swap3A_755] {strides = array<i32>} : memref<32x64xf32, #tpu.memory_space<vmem>>, vector<1x16xf32>,
    %swap3A_757 = vector.shape_cast %swap3A_756 : vector<1x16xf32> to vector<16xf32>
    %swap3A_758 = vector.shape_cast %broadcast_in_dim3A_9 : vector<16xf32> to vector<1x16xf32>
    tpu.vector_store %arg7[%swap3A_754, %swap3A_755], %swap3A_758 {strides = array<i32>} : memref<32x64xf32, #tpu.memory_space<vmem>>, vector<1x16xf32>,
    %swap3A_759 = arith.constant 31 : i32
    %swap3A_760 = arith.index_cast %swap3A_759 : i32 to index
    %swap3A_761 = arith.constant 16 : index
    %swap3A_762 = tpu.vector_load %arg7[%swap3A_760, %swap3A_761] {strides = array<i32>} : memref<32x64xf32, #tpu.memory_space<vmem>>, vector<1x16xf32>,
    %swap3A_763 = vector.shape_cast %swap3A_762 : vector<1x16xf32> to vector<16xf32>
    %swap3A_764 = vector.shape_cast %broadcast_in_dim3A_9 : vector<16xf32> to vector<1x16xf32>
    tpu.vector_store %arg7[%swap3A_760, %swap3A_761], %swap3A_764 {strides = array<i32>} : memref<32x64xf32, #tpu.memory_space<vmem>>, vector<1x16xf32>,
    %swap3A_765 = arith.constant 31 : i32
    %swap3A_766 = arith.index_cast %swap3A_765 : i32 to index
    %swap3A_767 = arith.constant 32 : index
    %swap3A_768 = tpu.vector_load %arg7[%swap3A_766, %swap3A_767] {strides = array<i32>} : memref<32x64xf32, #tpu.memory_space<vmem>>, vector<1x16xf32>,
    %swap3A_769 = vector.shape_cast %swap3A_768 : vector<1x16xf32> to vector<16xf32>
    %swap3A_770 = vector.shape_cast %broadcast_in_dim3A_9 : vector<16xf32> to vector<1x16xf32>
    tpu.vector_store %arg7[%swap3A_766, %swap3A_767], %swap3A_770 {strides = array<i32>} : memref<32x64xf32, #tpu.memory_space<vmem>>, vector<1x16xf32>,
    %swap3A_771 = arith.constant 31 : i32
    %swap3A_772 = arith.index_cast %swap3A_771 : i32 to index
    %swap3A_773 = arith.constant 48 : index
    %swap3A_774 = tpu.vector_load %arg7[%swap3A_772, %swap3A_773] {strides = array<i32>} : memref<32x64xf32, #tpu.memory_space<vmem>>, vector<1x16xf32>,
    %swap3A_775 = vector.shape_cast %swap3A_774 : vector<1x16xf32> to vector<16xf32>
    %swap3A_776 = vector.shape_cast %broadcast_in_dim3A_9 : vector<16xf32> to vector<1x16xf32>
    tpu.vector_store %arg7[%swap3A_772, %swap3A_773], %swap3A_776 {strides = array<i32>} : memref<32x64xf32, #tpu.memory_space<vmem>>, vector<1x16xf32>,
    %eq3A_777 = arith.constant 15 : i32
    %eq3A_778 = arith.cmpi eq, %arg1, %eq3A_777 : i32
    %convert_element_type3A_779 = arith.extui %eq3A_778 : i1 to i32
    %cond3A_780 = arith.constant 0 : i32
    %cond3A_781 = arith.cmpi ne, %convert_element_type3A_779, %cond3A_780 : i32
    scf.if %cond3A_781 {
      %broadcast_in_dim3A_942 = arith.constant 511 : i32
      %broadcast_in_dim3A_943 = vector.broadcast %broadcast_in_dim3A_942 : i32 to vector<16xi32>
      %swap3A_944 = arith.constant 3 : i32
      %swap3A_945 = arith.index_cast %swap3A_944 : i32 to index
      %swap3A_946 = arith.constant 16 : index
      %swap3A_947 = tpu.vector_load %arg6[%swap3A_945, %swap3A_946] {strides = array<i32>} : memref<5x128xi32, #tpu.memory_space<vmem>>, vector<1x16xi32>,
      %swap3A_948 = vector.shape_cast %swap3A_947 : vector<1x16xi32> to vector<16xi32>
      %swap3A_949 = vector.shape_cast %broadcast_in_dim3A_943 : vector<16xi32> to vector<1x16xi32>
      tpu.vector_store %arg6[%swap3A_945, %swap3A_946], %swap3A_949 {strides = array<i32>} : memref<5x128xi32, #tpu.memory_space<vmem>>, vector<1x16xi32>,
      %swap3A_950 = arith.constant 3 : i32
      %swap3A_951 = arith.index_cast %swap3A_950 : i32 to index
      %swap3A_952 = arith.constant 32 : index
      %swap3A_953 = tpu.vector_load %arg6[%swap3A_951, %swap3A_952] {strides = array<i32>} : memref<5x128xi32, #tpu.memory_space<vmem>>, vector<1x16xi32>,
      %swap3A_954 = vector.shape_cast %swap3A_953 : vector<1x16xi32> to vector<16xi32>
      %swap3A_955 = vector.shape_cast %broadcast_in_dim3A_943 : vector<16xi32> to vector<1x16xi32>
      tpu.vector_store %arg6[%swap3A_951, %swap3A_952], %swap3A_955 {strides = array<i32>} : memref<5x128xi32, #tpu.memory_space<vmem>>, vector<1x16xi32>,
      %swap3A_956 = arith.constant 3 : i32
      %swap3A_957 = arith.index_cast %swap3A_956 : i32 to index
      %swap3A_958 = arith.constant 48 : index
      %swap3A_959 = tpu.vector_load %arg6[%swap3A_957, %swap3A_958] {strides = array<i32>} : memref<5x128xi32, #tpu.memory_space<vmem>>, vector<1x16xi32>,
      %swap3A_960 = vector.shape_cast %swap3A_959 : vector<1x16xi32> to vector<16xi32>
      %swap3A_961 = vector.shape_cast %broadcast_in_dim3A_943 : vector<16xi32> to vector<1x16xi32>
      tpu.vector_store %arg6[%swap3A_957, %swap3A_958], %swap3A_961 {strides = array<i32>} : memref<5x128xi32, #tpu.memory_space<vmem>>, vector<1x16xi32>,
      %swap3A_962 = arith.constant 3 : i32
      %swap3A_963 = arith.index_cast %swap3A_962 : i32 to index
      %swap3A_964 = arith.constant 64 : index
      %swap3A_965 = tpu.vector_load %arg6[%swap3A_963, %swap3A_964] {strides = array<i32>} : memref<5x128xi32, #tpu.memory_space<vmem>>, vector<1x16xi32>,
      %swap3A_966 = vector.shape_cast %swap3A_965 : vector<1x16xi32> to vector<16xi32>
      %swap3A_967 = vector.shape_cast %broadcast_in_dim3A_943 : vector<16xi32> to vector<1x16xi32>
      tpu.vector_store %arg6[%swap3A_963, %swap3A_964], %swap3A_967 {strides = array<i32>} : memref<5x128xi32, #tpu.memory_space<vmem>>, vector<1x16xi32>,
      %swap3A_968 = arith.constant 3 : i32
      %swap3A_969 = arith.index_cast %swap3A_968 : i32 to index
      %swap3A_970 = arith.constant 80 : index
      %swap3A_971 = tpu.vector_load %arg6[%swap3A_969, %swap3A_970] {strides = array<i32>} : memref<5x128xi32, #tpu.memory_space<vmem>>, vector<1x16xi32>,
      %swap3A_972 = vector.shape_cast %swap3A_971 : vector<1x16xi32> to vector<16xi32>
      %swap3A_973 = vector.shape_cast %broadcast_in_dim3A_943 : vector<16xi32> to vector<1x16xi32>
      tpu.vector_store %arg6[%swap3A_969, %swap3A_970], %swap3A_973 {strides = array<i32>} : memref<5x128xi32, #tpu.memory_space<vmem>>, vector<1x16xi32>,
      %swap3A_974 = arith.constant 3 : i32
      %swap3A_975 = arith.index_cast %swap3A_974 : i32 to index
      %swap3A_976 = arith.constant 96 : index
      %swap3A_977 = tpu.vector_load %arg6[%swap3A_975, %swap3A_976] {strides = array<i32>} : memref<5x128xi32, #tpu.memory_space<vmem>>, vector<1x16xi32>,
      %swap3A_978 = vector.shape_cast %swap3A_977 : vector<1x16xi32> to vector<16xi32>
      %swap3A_979 = vector.shape_cast %broadcast_in_dim3A_943 : vector<16xi32> to vector<1x16xi32>
      tpu.vector_store %arg6[%swap3A_975, %swap3A_976], %swap3A_979 {strides = array<i32>} : memref<5x128xi32, #tpu.memory_space<vmem>>, vector<1x16xi32>,
      %swap3A_980 = arith.constant 3 : i32
      %swap3A_981 = arith.index_cast %swap3A_980 : i32 to index
      %swap3A_982 = arith.constant 112 : index
      %swap3A_983 = tpu.vector_load %arg6[%swap3A_981, %swap3A_982] {strides = array<i32>} : memref<5x128xi32, #tpu.memory_space<vmem>>, vector<1x16xi32>,
      %swap3A_984 = vector.shape_cast %swap3A_983 : vector<1x16xi32> to vector<16xi32>
      %swap3A_985 = vector.shape_cast %broadcast_in_dim3A_943 : vector<16xi32> to vector<1x16xi32>
      tpu.vector_store %arg6[%swap3A_981, %swap3A_982], %swap3A_985 {strides = array<i32>} : memref<5x128xi32, #tpu.memory_space<vmem>>, vector<1x16xi32>,
      %swap3A_986 = arith.constant 4 : i32
      %swap3A_987 = arith.index_cast %swap3A_986 : i32 to index
      %swap3A_988 = arith.constant 0 : index
      %swap3A_989 = tpu.vector_load %arg6[%swap3A_987, %swap3A_988] {strides = array<i32>} : memref<5x128xi32, #tpu.memory_space<vmem>>, vector<1x16xi32>,
      %swap3A_990 = vector.shape_cast %swap3A_989 : vector<1x16xi32> to vector<16xi32>
      %swap3A_991 = vector.shape_cast %broadcast_in_dim3A_943 : vector<16xi32> to vector<1x16xi32>
      tpu.vector_store %arg6[%swap3A_987, %swap3A_988], %swap3A_991 {strides = array<i32>} : memref<5x128xi32, #tpu.memory_space<vmem>>, vector<1x16xi32>,
      %swap3A_992 = arith.constant 4 : i32
      %swap3A_993 = arith.index_cast %swap3A_992 : i32 to index
      %swap3A_994 = arith.constant 16 : index
      %swap3A_995 = tpu.vector_load %arg6[%swap3A_993, %swap3A_994] {strides = array<i32>} : memref<5x128xi32, #tpu.memory_space<vmem>>, vector<1x16xi32>,
      %swap3A_996 = vector.shape_cast %swap3A_995 : vector<1x16xi32> to vector<16xi32>
      %swap3A_997 = vector.shape_cast %broadcast_in_dim3A_943 : vector<16xi32> to vector<1x16xi32>
      tpu.vector_store %arg6[%swap3A_993, %swap3A_994], %swap3A_997 {strides = array<i32>} : memref<5x128xi32, #tpu.memory_space<vmem>>, vector<1x16xi32>,
      %swap3A_998 = arith.constant 4 : i32
      %swap3A_999 = arith.index_cast %swap3A_998 : i32 to index
      %swap3A_1000 = arith.constant 32 : index
      %swap3A_1001 = tpu.vector_load %arg6[%swap3A_999, %swap3A_1000] {strides = array<i32>} : memref<5x128xi32, #tpu.memory_space<vmem>>, vector<1x16xi32>,
      %swap3A_1002 = vector.shape_cast %swap3A_1001 : vector<1x16xi32> to vector<16xi32>
      %swap3A_1003 = vector.shape_cast %broadcast_in_dim3A_943 : vector<16xi32> to vector<1x16xi32>
      tpu.vector_store %arg6[%swap3A_999, %swap3A_1000], %swap3A_1003 {strides = array<i32>} : memref<5x128xi32, #tpu.memory_space<vmem>>, vector<1x16xi32>,
      %swap3A_1004 = arith.constant 4 : i32
      %swap3A_1005 = arith.index_cast %swap3A_1004 : i32 to index
      %swap3A_1006 = arith.constant 48 : index
      %swap3A_1007 = tpu.vector_load %arg6[%swap3A_1005, %swap3A_1006] {strides = array<i32>} : memref<5x128xi32, #tpu.memory_space<vmem>>, vector<1x16xi32>,
      %swap3A_1008 = vector.shape_cast %swap3A_1007 : vector<1x16xi32> to vector<16xi32>
      %swap3A_1009 = vector.shape_cast %broadcast_in_dim3A_943 : vector<16xi32> to vector<1x16xi32>
      tpu.vector_store %arg6[%swap3A_1005, %swap3A_1006], %swap3A_1009 {strides = array<i32>} : memref<5x128xi32, #tpu.memory_space<vmem>>, vector<1x16xi32>,
      %swap3A_1010 = arith.constant 4 : i32
      %swap3A_1011 = arith.index_cast %swap3A_1010 : i32 to index
      %swap3A_1012 = arith.constant 64 : index
      %swap3A_1013 = tpu.vector_load %arg6[%swap3A_1011, %swap3A_1012] {strides = array<i32>} : memref<5x128xi32, #tpu.memory_space<vmem>>, vector<1x16xi32>,
      %swap3A_1014 = vector.shape_cast %swap3A_1013 : vector<1x16xi32> to vector<16xi32>
      %swap3A_1015 = vector.shape_cast %broadcast_in_dim3A_943 : vector<16xi32> to vector<1x16xi32>
      tpu.vector_store %arg6[%swap3A_1011, %swap3A_1012], %swap3A_1015 {strides = array<i32>} : memref<5x128xi32, #tpu.memory_space<vmem>>, vector<1x16xi32>,
      %swap3A_1016 = arith.constant 4 : i32
      %swap3A_1017 = arith.index_cast %swap3A_1016 : i32 to index
      %swap3A_1018 = arith.constant 80 : index
      %swap3A_1019 = tpu.vector_load %arg6[%swap3A_1017, %swap3A_1018] {strides = array<i32>} : memref<5x128xi32, #tpu.memory_space<vmem>>, vector<1x16xi32>,
      %swap3A_1020 = vector.shape_cast %swap3A_1019 : vector<1x16xi32> to vector<16xi32>
      %swap3A_1021 = vector.shape_cast %broadcast_in_dim3A_943 : vector<16xi32> to vector<1x16xi32>
      tpu.vector_store %arg6[%swap3A_1017, %swap3A_1018], %swap3A_1021 {strides = array<i32>} : memref<5x128xi32, #tpu.memory_space<vmem>>, vector<1x16xi32>,
      %swap3A_1022 = arith.constant 4 : i32
      %swap3A_1023 = arith.index_cast %swap3A_1022 : i32 to index
      %swap3A_1024 = arith.constant 96 : index
      %swap3A_1025 = tpu.vector_load %arg6[%swap3A_1023, %swap3A_1024] {strides = array<i32>} : memref<5x128xi32, #tpu.memory_space<vmem>>, vector<1x16xi32>,
      %swap3A_1026 = vector.shape_cast %swap3A_1025 : vector<1x16xi32> to vector<16xi32>
      %swap3A_1027 = vector.shape_cast %broadcast_in_dim3A_943 : vector<16xi32> to vector<1x16xi32>
      tpu.vector_store %arg6[%swap3A_1023, %swap3A_1024], %swap3A_1027 {strides = array<i32>} : memref<5x128xi32, #tpu.memory_space<vmem>>, vector<1x16xi32>,
      %swap3A_1028 = arith.constant 4 : i32
      %swap3A_1029 = arith.index_cast %swap3A_1028 : i32 to index
      %swap3A_1030 = arith.constant 112 : index
      %swap3A_1031 = tpu.vector_load %arg6[%swap3A_1029, %swap3A_1030] {strides = array<i32>} : memref<5x128xi32, #tpu.memory_space<vmem>>, vector<1x16xi32>,
      %swap3A_1032 = vector.shape_cast %swap3A_1031 : vector<1x16xi32> to vector<16xi32>
      %swap3A_1033 = vector.shape_cast %broadcast_in_dim3A_943 : vector<16xi32> to vector<1x16xi32>
      tpu.vector_store %arg6[%swap3A_1029, %swap3A_1030], %swap3A_1033 {strides = array<i32>} : memref<5x128xi32, #tpu.memory_space<vmem>>, vector<1x16xi32>,
    } else {
    }
    %mul3A_782 = arith.constant 32 : i32
    %mul3A_783 = arith.muli %arg1, %mul3A_782 : i32
    "tpu.region"() ({
      %run_scoped3A = tpu.sem_alloc : memref<!tpu.dma_semaphore, #tpu.memory_space<semaphore_mem>>
      %dma_start3A_942 = arith.constant 0 : i32
      %dma_start3A_943 = tpu.memref_slice %arg8[%mul3A_783, %dma_start3A_942] : memref<512x64xf32, #tpu.memory_space<vmem_shared>> -> memref<32x64xf32, #tpu.memory_space<vmem_shared>>
      %dma_start3A_944 = arith.constant 0 : i32
      %dma_start3A_945 = tpu.memref_slice %arg8[%mul3A_783, %dma_start3A_944] : memref<512x64xf32, #tpu.memory_space<vmem_shared>> -> memref<32x64xf32, #tpu.memory_space<vmem_shared>>
      tpu.enqueue_dma source(%arg7 : memref<32x64xf32, #tpu.memory_space<vmem>>) target(%dma_start3A_945 : memref<32x64xf32, #tpu.memory_space<vmem_shared>>) target_semaphore(%run_scoped3A : memref<!tpu.dma_semaphore, #tpu.memory_space<semaphore_mem>>)
      %dma_wait3A_946 = arith.constant 0 : i32
      %dma_wait3A_947 = tpu.memref_slice %arg8[%mul3A_783, %dma_wait3A_946] : memref<512x64xf32, #tpu.memory_space<vmem_shared>> -> memref<32x64xf32, #tpu.memory_space<vmem_shared>>
      %dma_wait3A_948 = arith.constant 0 : i32
      %dma_wait3A_949 = tpu.memref_slice %arg8[%mul3A_783, %dma_wait3A_948] : memref<512x64xf32, #tpu.memory_space<vmem_shared>> -> memref<32x64xf32, #tpu.memory_space<vmem_shared>>
      tpu.wait_dma2 semaphore(%run_scoped3A : memref<!tpu.dma_semaphore, #tpu.memory_space<semaphore_mem>>) src(%arg7 : memref<32x64xf32, #tpu.memory_space<vmem>>) dst(%dma_wait3A_949 : memref<32x64xf32, #tpu.memory_space<vmem_shared>>)
      tpu.yield
    }) : () -> ()
    %barrier3A = arith.constant 0 : index
    tpu.barrier barrier_id(%barrier3A)
    %lt3A_784 = arith.constant 15 : i32
    %lt3A_785 = arith.cmpi slt, %arg1, %lt3A_784 : i32
    %convert_element_type3A_786 = arith.extui %lt3A_785 : i1 to i32
    %cond3A_787 = arith.constant 0 : i32
    %cond3A_788 = arith.cmpi ne, %convert_element_type3A_786, %cond3A_787 : i32
    scf.if %cond3A_788 {
      %add3A = arith.constant 0 : i32
      %add3A_942 = arith.addi %mul3A_2, %add3A : i32
      %dma_wait3A_943 = arith.constant 0 : i32
      %dma_wait3A_944 = arith.constant 0 : i32
      %dma_wait3A_945 = tpu.memref_slice %arg6[%dma_wait3A_943, %dma_wait3A_944] : memref<5x128xi32, #tpu.memory_space<vmem>> -> memref<1x128xi32, #tpu.memory_space<vmem>>
      %dma_wait3A_946 = tpu.memref_squeeze %dma_wait3A_945 : memref<1x128xi32, #tpu.memory_space<vmem>> -> memref<128xi32, #tpu.memory_space<vmem>>
      %dma_wait3A_947 = tpu.memref_slice %arg3[%add3A_942] : memref<10000xi32, #tpu.memory_space<hbm>> -> memref<128xi32, #tpu.memory_space<hbm>>
      %dma_wait3A_948 = arith.constant 0 : i32
      %dma_wait3A_949 = tpu.memref_slice %arg6[%dma_wait3A_943, %dma_wait3A_948] : memref<5x128xi32, #tpu.memory_space<vmem>> -> memref<1x128xi32, #tpu.memory_space<vmem>>
      %dma_wait3A_950 = tpu.memref_squeeze %dma_wait3A_949 : memref<1x128xi32, #tpu.memory_space<vmem>> -> memref<128xi32, #tpu.memory_space<vmem>>
      %dma_wait3A_951 = tpu.memref_slice %arg3[%add3A_942] : memref<10000xi32, #tpu.memory_space<hbm>> -> memref<128xi32, #tpu.memory_space<hbm>>
      tpu.wait_dma2 semaphore(%arg10 : memref<!tpu.dma_semaphore, #tpu.memory_space<semaphore_mem>>) src(%dma_wait3A_951 : memref<128xi32, #tpu.memory_space<hbm>>) dst(%dma_wait3A_950 : memref<128xi32, #tpu.memory_space<vmem>>)
      %add3A_952 = arith.constant 128 : i32
      %add3A_953 = arith.addi %mul3A_2, %add3A_952 : i32
      %dma_wait3A_954 = arith.constant 1 : i32
      %dma_wait3A_955 = arith.constant 0 : i32
      %dma_wait3A_956 = tpu.memref_slice %arg6[%dma_wait3A_954, %dma_wait3A_955] : memref<5x128xi32, #tpu.memory_space<vmem>> -> memref<1x128xi32, #tpu.memory_space<vmem>>
      %dma_wait3A_957 = tpu.memref_squeeze %dma_wait3A_956 : memref<1x128xi32, #tpu.memory_space<vmem>> -> memref<128xi32, #tpu.memory_space<vmem>>
      %dma_wait3A_958 = tpu.memref_slice %arg3[%add3A_953] : memref<10000xi32, #tpu.memory_space<hbm>> -> memref<128xi32, #tpu.memory_space<hbm>>
      %dma_wait3A_959 = arith.constant 0 : i32
      %dma_wait3A_960 = tpu.memref_slice %arg6[%dma_wait3A_954, %dma_wait3A_959] : memref<5x128xi32, #tpu.memory_space<vmem>> -> memref<1x128xi32, #tpu.memory_space<vmem>>
      %dma_wait3A_961 = tpu.memref_squeeze %dma_wait3A_960 : memref<1x128xi32, #tpu.memory_space<vmem>> -> memref<128xi32, #tpu.memory_space<vmem>>
      %dma_wait3A_962 = tpu.memref_slice %arg3[%add3A_953] : memref<10000xi32, #tpu.memory_space<hbm>> -> memref<128xi32, #tpu.memory_space<hbm>>
      tpu.wait_dma2 semaphore(%arg10 : memref<!tpu.dma_semaphore, #tpu.memory_space<semaphore_mem>>) src(%dma_wait3A_962 : memref<128xi32, #tpu.memory_space<hbm>>) dst(%dma_wait3A_961 : memref<128xi32, #tpu.memory_space<vmem>>)
      %add3A_963 = arith.constant 256 : i32
      %add3A_964 = arith.addi %mul3A_2, %add3A_963 : i32
      %dma_wait3A_965 = arith.constant 2 : i32
      %dma_wait3A_966 = arith.constant 0 : i32
      %dma_wait3A_967 = tpu.memref_slice %arg6[%dma_wait3A_965, %dma_wait3A_966] : memref<5x128xi32, #tpu.memory_space<vmem>> -> memref<1x128xi32, #tpu.memory_space<vmem>>
      %dma_wait3A_968 = tpu.memref_squeeze %dma_wait3A_967 : memref<1x128xi32, #tpu.memory_space<vmem>> -> memref<128xi32, #tpu.memory_space<vmem>>
      %dma_wait3A_969 = tpu.memref_slice %arg3[%add3A_964] : memref<10000xi32, #tpu.memory_space<hbm>> -> memref<128xi32, #tpu.memory_space<hbm>>
      %dma_wait3A_970 = arith.constant 0 : i32
      %dma_wait3A_971 = tpu.memref_slice %arg6[%dma_wait3A_965, %dma_wait3A_970] : memref<5x128xi32, #tpu.memory_space<vmem>> -> memref<1x128xi32, #tpu.memory_space<vmem>>
      %dma_wait3A_972 = tpu.memref_squeeze %dma_wait3A_971 : memref<1x128xi32, #tpu.memory_space<vmem>> -> memref<128xi32, #tpu.memory_space<vmem>>
      %dma_wait3A_973 = tpu.memref_slice %arg3[%add3A_964] : memref<10000xi32, #tpu.memory_space<hbm>> -> memref<128xi32, #tpu.memory_space<hbm>>
      tpu.wait_dma2 semaphore(%arg10 : memref<!tpu.dma_semaphore, #tpu.memory_space<semaphore_mem>>) src(%dma_wait3A_973 : memref<128xi32, #tpu.memory_space<hbm>>) dst(%dma_wait3A_972 : memref<128xi32, #tpu.memory_space<vmem>>)
      %add3A_974 = arith.constant 384 : i32
      %add3A_975 = arith.addi %mul3A_2, %add3A_974 : i32
      %dma_wait3A_976 = arith.constant 3 : i32
      %dma_wait3A_977 = arith.constant 0 : i32
      %dma_wait3A_978 = tpu.memref_slice %arg6[%dma_wait3A_976, %dma_wait3A_977] : memref<5x128xi32, #tpu.memory_space<vmem>> -> memref<1x128xi32, #tpu.memory_space<vmem>>
      %dma_wait3A_979 = tpu.memref_squeeze %dma_wait3A_978 : memref<1x128xi32, #tpu.memory_space<vmem>> -> memref<128xi32, #tpu.memory_space<vmem>>
      %dma_wait3A_980 = tpu.memref_slice %arg3[%add3A_975] : memref<10000xi32, #tpu.memory_space<hbm>> -> memref<128xi32, #tpu.memory_space<hbm>>
      %dma_wait3A_981 = arith.constant 0 : i32
      %dma_wait3A_982 = tpu.memref_slice %arg6[%dma_wait3A_976, %dma_wait3A_981] : memref<5x128xi32, #tpu.memory_space<vmem>> -> memref<1x128xi32, #tpu.memory_space<vmem>>
      %dma_wait3A_983 = tpu.memref_squeeze %dma_wait3A_982 : memref<1x128xi32, #tpu.memory_space<vmem>> -> memref<128xi32, #tpu.memory_space<vmem>>
      %dma_wait3A_984 = tpu.memref_slice %arg3[%add3A_975] : memref<10000xi32, #tpu.memory_space<hbm>> -> memref<128xi32, #tpu.memory_space<hbm>>
      tpu.wait_dma2 semaphore(%arg10 : memref<!tpu.dma_semaphore, #tpu.memory_space<semaphore_mem>>) src(%dma_wait3A_984 : memref<128xi32, #tpu.memory_space<hbm>>) dst(%dma_wait3A_983 : memref<128xi32, #tpu.memory_space<vmem>>)
      %add3A_985 = arith.constant 512 : i32
      %add3A_986 = arith.addi %mul3A_2, %add3A_985 : i32
      %dma_wait3A_987 = arith.constant 4 : i32
      %dma_wait3A_988 = arith.constant 0 : i32
      %dma_wait3A_989 = tpu.memref_slice %arg6[%dma_wait3A_987, %dma_wait3A_988] : memref<5x128xi32, #tpu.memory_space<vmem>> -> memref<1x128xi32, #tpu.memory_space<vmem>>
      %dma_wait3A_990 = tpu.memref_squeeze %dma_wait3A_989 : memref<1x128xi32, #tpu.memory_space<vmem>> -> memref<128xi32, #tpu.memory_space<vmem>>
      %dma_wait3A_991 = tpu.memref_slice %arg3[%add3A_986] : memref<10000xi32, #tpu.memory_space<hbm>> -> memref<128xi32, #tpu.memory_space<hbm>>
      %dma_wait3A_992 = arith.constant 0 : i32
      %dma_wait3A_993 = tpu.memref_slice %arg6[%dma_wait3A_987, %dma_wait3A_992] : memref<5x128xi32, #tpu.memory_space<vmem>> -> memref<1x128xi32, #tpu.memory_space<vmem>>
      %dma_wait3A_994 = tpu.memref_squeeze %dma_wait3A_993 : memref<1x128xi32, #tpu.memory_space<vmem>> -> memref<128xi32, #tpu.memory_space<vmem>>
      %dma_wait3A_995 = tpu.memref_slice %arg3[%add3A_986] : memref<10000xi32, #tpu.memory_space<hbm>> -> memref<128xi32, #tpu.memory_space<hbm>>
      tpu.wait_dma2 semaphore(%arg10 : memref<!tpu.dma_semaphore, #tpu.memory_space<semaphore_mem>>) src(%dma_wait3A_995 : memref<128xi32, #tpu.memory_space<hbm>>) dst(%dma_wait3A_994 : memref<128xi32, #tpu.memory_space<vmem>>)
    } else {
    }
    %eq3A_789 = arith.constant 15 : i32
    %eq3A_790 = arith.cmpi eq, %arg1, %eq3A_789 : i32
    %convert_element_type3A_791 = arith.extui %eq3A_790 : i1 to i32
    %cond3A_792 = arith.constant 0 : i32
    %cond3A_793 = arith.cmpi ne, %convert_element_type3A_791, %cond3A_792 : i32
    scf.if %cond3A_793 {
      %add3A = arith.constant 0 : i32
      %add3A_942 = arith.addi %mul3A_2, %add3A : i32
      %dma_wait3A_943 = arith.constant 0 : i32
      %dma_wait3A_944 = arith.constant 0 : i32
      %dma_wait3A_945 = tpu.memref_slice %arg6[%dma_wait3A_943, %dma_wait3A_944] : memref<5x128xi32, #tpu.memory_space<vmem>> -> memref<1x128xi32, #tpu.memory_space<vmem>>
      %dma_wait3A_946 = tpu.memref_squeeze %dma_wait3A_945 : memref<1x128xi32, #tpu.memory_space<vmem>> -> memref<128xi32, #tpu.memory_space<vmem>>
      %dma_wait3A_947 = tpu.memref_slice %arg3[%add3A_942] : memref<10000xi32, #tpu.memory_space<hbm>> -> memref<128xi32, #tpu.memory_space<hbm>>
      %dma_wait3A_948 = arith.constant 0 : i32
      %dma_wait3A_949 = tpu.memref_slice %arg6[%dma_wait3A_943, %dma_wait3A_948] : memref<5x128xi32, #tpu.memory_space<vmem>> -> memref<1x128xi32, #tpu.memory_space<vmem>>
      %dma_wait3A_950 = tpu.memref_squeeze %dma_wait3A_949 : memref<1x128xi32, #tpu.memory_space<vmem>> -> memref<128xi32, #tpu.memory_space<vmem>>
      %dma_wait3A_951 = tpu.memref_slice %arg3[%add3A_942] : memref<10000xi32, #tpu.memory_space<hbm>> -> memref<128xi32, #tpu.memory_space<hbm>>
      tpu.wait_dma2 semaphore(%arg10 : memref<!tpu.dma_semaphore, #tpu.memory_space<semaphore_mem>>) src(%dma_wait3A_951 : memref<128xi32, #tpu.memory_space<hbm>>) dst(%dma_wait3A_950 : memref<128xi32, #tpu.memory_space<vmem>>)
      %add3A_952 = arith.constant 128 : i32
      %add3A_953 = arith.addi %mul3A_2, %add3A_952 : i32
      %dma_wait3A_954 = arith.constant 1 : i32
      %dma_wait3A_955 = arith.constant 0 : i32
      %dma_wait3A_956 = tpu.memref_slice %arg6[%dma_wait3A_954, %dma_wait3A_955] : memref<5x128xi32, #tpu.memory_space<vmem>> -> memref<1x128xi32, #tpu.memory_space<vmem>>
      %dma_wait3A_957 = tpu.memref_squeeze %dma_wait3A_956 : memref<1x128xi32, #tpu.memory_space<vmem>> -> memref<128xi32, #tpu.memory_space<vmem>>
      %dma_wait3A_958 = tpu.memref_slice %arg3[%add3A_953] : memref<10000xi32, #tpu.memory_space<hbm>> -> memref<128xi32, #tpu.memory_space<hbm>>
      %dma_wait3A_959 = arith.constant 0 : i32
      %dma_wait3A_960 = tpu.memref_slice %arg6[%dma_wait3A_954, %dma_wait3A_959] : memref<5x128xi32, #tpu.memory_space<vmem>> -> memref<1x128xi32, #tpu.memory_space<vmem>>
      %dma_wait3A_961 = tpu.memref_squeeze %dma_wait3A_960 : memref<1x128xi32, #tpu.memory_space<vmem>> -> memref<128xi32, #tpu.memory_space<vmem>>
      %dma_wait3A_962 = tpu.memref_slice %arg3[%add3A_953] : memref<10000xi32, #tpu.memory_space<hbm>> -> memref<128xi32, #tpu.memory_space<hbm>>
      tpu.wait_dma2 semaphore(%arg10 : memref<!tpu.dma_semaphore, #tpu.memory_space<semaphore_mem>>) src(%dma_wait3A_962 : memref<128xi32, #tpu.memory_space<hbm>>) dst(%dma_wait3A_961 : memref<128xi32, #tpu.memory_space<vmem>>)
      %add3A_963 = arith.constant 256 : i32
      %add3A_964 = arith.addi %mul3A_2, %add3A_963 : i32
      %dma_wait3A_965 = arith.constant 2 : i32
      %dma_wait3A_966 = arith.constant 0 : i32
      %dma_wait3A_967 = tpu.memref_slice %arg6[%dma_wait3A_965, %dma_wait3A_966] : memref<5x128xi32, #tpu.memory_space<vmem>> -> memref<1x128xi32, #tpu.memory_space<vmem>>
      %dma_wait3A_968 = tpu.memref_squeeze %dma_wait3A_967 : memref<1x128xi32, #tpu.memory_space<vmem>> -> memref<128xi32, #tpu.memory_space<vmem>>
      %dma_wait3A_969 = tpu.memref_slice %arg3[%add3A_964] : memref<10000xi32, #tpu.memory_space<hbm>> -> memref<128xi32, #tpu.memory_space<hbm>>
      %dma_wait3A_970 = arith.constant 0 : i32
      %dma_wait3A_971 = tpu.memref_slice %arg6[%dma_wait3A_965, %dma_wait3A_970] : memref<5x128xi32, #tpu.memory_space<vmem>> -> memref<1x128xi32, #tpu.memory_space<vmem>>
      %dma_wait3A_972 = tpu.memref_squeeze %dma_wait3A_971 : memref<1x128xi32, #tpu.memory_space<vmem>> -> memref<128xi32, #tpu.memory_space<vmem>>
      %dma_wait3A_973 = tpu.memref_slice %arg3[%add3A_964] : memref<10000xi32, #tpu.memory_space<hbm>> -> memref<128xi32, #tpu.memory_space<hbm>>
      tpu.wait_dma2 semaphore(%arg10 : memref<!tpu.dma_semaphore, #tpu.memory_space<semaphore_mem>>) src(%dma_wait3A_973 : memref<128xi32, #tpu.memory_space<hbm>>) dst(%dma_wait3A_972 : memref<128xi32, #tpu.memory_space<vmem>>)
      %add3A_974 = arith.constant 384 : i32
      %add3A_975 = arith.addi %mul3A_2, %add3A_974 : i32
      %dma_wait3A_976 = arith.constant 3 : i32
      %dma_wait3A_977 = arith.constant 0 : i32
      %dma_wait3A_978 = tpu.memref_slice %arg6[%dma_wait3A_976, %dma_wait3A_977] : memref<5x128xi32, #tpu.memory_space<vmem>> -> memref<1x16xi32, #tpu.memory_space<vmem>>
      %dma_wait3A_979 = tpu.memref_squeeze %dma_wait3A_978 : memref<1x16xi32, #tpu.memory_space<vmem>> -> memref<16xi32, #tpu.memory_space<vmem>>
      %dma_wait3A_980 = tpu.memref_slice %arg3[%add3A_975] : memref<10000xi32, #tpu.memory_space<hbm>> -> memref<16xi32, #tpu.memory_space<hbm>>
      %dma_wait3A_981 = arith.constant 0 : i32
      %dma_wait3A_982 = tpu.memref_slice %arg6[%dma_wait3A_976, %dma_wait3A_981] : memref<5x128xi32, #tpu.memory_space<vmem>> -> memref<1x16xi32, #tpu.memory_space<vmem>>
      %dma_wait3A_983 = tpu.memref_squeeze %dma_wait3A_982 : memref<1x16xi32, #tpu.memory_space<vmem>> -> memref<16xi32, #tpu.memory_space<vmem>>
      %dma_wait3A_984 = tpu.memref_slice %arg3[%add3A_975] : memref<10000xi32, #tpu.memory_space<hbm>> -> memref<16xi32, #tpu.memory_space<hbm>>
      tpu.wait_dma2 semaphore(%arg10 : memref<!tpu.dma_semaphore, #tpu.memory_space<semaphore_mem>>) src(%dma_wait3A_984 : memref<16xi32, #tpu.memory_space<hbm>>) dst(%dma_wait3A_983 : memref<16xi32, #tpu.memory_space<vmem>>)
    } else {
    }
    %lt3A_794 = arith.constant 15 : i32
    %lt3A_795 = arith.cmpi slt, %arg1, %lt3A_794 : i32
    %or3A = arith.constant true
    %or3A_796 = arith.ori %lt3A_795, %or3A : i1
    %convert_element_type3A_797 = arith.extui %or3A_796 : i1 to i32
    %cond3A_798 = arith.constant 0 : i32
    %cond3A_799 = arith.cmpi ne, %convert_element_type3A_797, %cond3A_798 : i32
    scf.if %cond3A_799 {
      %add3A = arith.constant 0 : i32
      %add3A_942 = arith.addi %mul3A_2, %add3A : i32
      %dma_wait3A_943 = arith.constant 0 : i32
      %dma_wait3A_944 = arith.constant 0 : i32
      %dma_wait3A_945 = arith.constant 0 : i32
      %dma_wait3A_946 = tpu.memref_slice %arg5[%dma_wait3A_944, %dma_wait3A_945] : memref<640x64xf32, #tpu.memory_space<vmem>> -> memref<128x64xf32, #tpu.memory_space<vmem>>
      %dma_wait3A_947 = tpu.memref_slice %arg2[%add3A_942, %mul3A_0] : memref<10000x128xf32, #tpu.memory_space<hbm>> -> memref<128x64xf32, #tpu.memory_space<hbm>>
      %dma_wait3A_948 = tpu.memref_slice %arg9[%dma_wait3A_943] : memref<5x!tpu.dma_semaphore, #tpu.memory_space<semaphore_mem>> -> memref<1x!tpu.dma_semaphore, #tpu.memory_space<semaphore_mem>>
      %dma_wait3A_949 = tpu.memref_squeeze %dma_wait3A_948 : memref<1x!tpu.dma_semaphore, #tpu.memory_space<semaphore_mem>> -> memref<!tpu.dma_semaphore, #tpu.memory_space<semaphore_mem>>
      %dma_wait3A_950 = arith.constant 0 : i32
      %dma_wait3A_951 = arith.constant 0 : i32
      %dma_wait3A_952 = tpu.memref_slice %arg5[%dma_wait3A_950, %dma_wait3A_951] : memref<640x64xf32, #tpu.memory_space<vmem>> -> memref<128x64xf32, #tpu.memory_space<vmem>>
      %dma_wait3A_953 = tpu.memref_slice %arg2[%add3A_942, %mul3A_0] : memref<10000x128xf32, #tpu.memory_space<hbm>> -> memref<128x64xf32, #tpu.memory_space<hbm>>
      tpu.wait_dma2 semaphore(%dma_wait3A_949 : memref<!tpu.dma_semaphore, #tpu.memory_space<semaphore_mem>>) src(%dma_wait3A_953 : memref<128x64xf32, #tpu.memory_space<hbm>>) dst(%dma_wait3A_952 : memref<128x64xf32, #tpu.memory_space<vmem>>)
    } else {
    }
    %dma_start3A = arith.constant 0 : i32
    %dma_start3A_800 = arith.constant 0 : i32
    %dma_start3A_801 = arith.constant 0 : i32
    %dma_start3A_802 = tpu.memref_slice %arg5[%dma_start3A_800, %dma_start3A_801] : memref<640x64xf32, #tpu.memory_space<vmem>> -> memref<128x64xf32, #tpu.memory_space<vmem>>
    %dma_start3A_803 = arith.constant 0 : i32
    %dma_start3A_804 = tpu.memref_slice %arg6[%dma_start3A, %dma_start3A_803] : memref<5x128xi32, #tpu.memory_space<vmem>> -> memref<1x128xi32, #tpu.memory_space<vmem>>
    %dma_start3A_805 = tpu.memref_squeeze %dma_start3A_804 : memref<1x128xi32, #tpu.memory_space<vmem>> -> memref<128xi32, #tpu.memory_space<vmem>>
    %dma_start3A_806 = arith.constant 0 : i32
    %dma_start3A_807 = arith.constant 0 : i32
    %dma_start3A_808 = tpu.memref_slice %arg8[%dma_start3A_806, %dma_start3A_807] : memref<512x64xf32, #tpu.memory_space<vmem_shared>> -> memref<512x64xf32, #tpu.memory_space<vmem_shared>>
    tpu.enqueue_indirect_dma source(%dma_start3A_802 : memref<128x64xf32, #tpu.memory_space<vmem>>) target(%dma_start3A_808 : memref<512x64xf32, #tpu.memory_space<vmem_shared>>) offsets(%dma_start3A_805 : memref<128xi32, #tpu.memory_space<vmem>>) semaphore(%arg10 : memref<!tpu.dma_semaphore, #tpu.memory_space<semaphore_mem>>) {add = true}
    %lt3A_809 = arith.constant 15 : i32
    %lt3A_810 = arith.cmpi slt, %arg1, %lt3A_809 : i32
    %or3A_811 = arith.constant true
    %or3A_812 = arith.ori %lt3A_810, %or3A_811 : i1
    %convert_element_type3A_813 = arith.extui %or3A_812 : i1 to i32
    %cond3A_814 = arith.constant 0 : i32
    %cond3A_815 = arith.cmpi ne, %convert_element_type3A_813, %cond3A_814 : i32
    scf.if %cond3A_815 {
      %add3A = arith.constant 128 : i32
      %add3A_942 = arith.addi %mul3A_2, %add3A : i32
      %dma_wait3A_943 = arith.constant 1 : i32
      %dma_wait3A_944 = arith.constant 128 : i32
      %dma_wait3A_945 = arith.constant 0 : i32
      %dma_wait3A_946 = tpu.memref_slice %arg5[%dma_wait3A_944, %dma_wait3A_945] : memref<640x64xf32, #tpu.memory_space<vmem>> -> memref<128x64xf32, #tpu.memory_space<vmem>>
      %dma_wait3A_947 = tpu.memref_slice %arg2[%add3A_942, %mul3A_0] : memref<10000x128xf32, #tpu.memory_space<hbm>> -> memref<128x64xf32, #tpu.memory_space<hbm>>
      %dma_wait3A_948 = tpu.memref_slice %arg9[%dma_wait3A_943] : memref<5x!tpu.dma_semaphore, #tpu.memory_space<semaphore_mem>> -> memref<1x!tpu.dma_semaphore, #tpu.memory_space<semaphore_mem>>
      %dma_wait3A_949 = tpu.memref_squeeze %dma_wait3A_948 : memref<1x!tpu.dma_semaphore, #tpu.memory_space<semaphore_mem>> -> memref<!tpu.dma_semaphore, #tpu.memory_space<semaphore_mem>>
      %dma_wait3A_950 = arith.constant 128 : i32
      %dma_wait3A_951 = arith.constant 0 : i32
      %dma_wait3A_952 = tpu.memref_slice %arg5[%dma_wait3A_950, %dma_wait3A_951] : memref<640x64xf32, #tpu.memory_space<vmem>> -> memref<128x64xf32, #tpu.memory_space<vmem>>
      %dma_wait3A_953 = tpu.memref_slice %arg2[%add3A_942, %mul3A_0] : memref<10000x128xf32, #tpu.memory_space<hbm>> -> memref<128x64xf32, #tpu.memory_space<hbm>>
      tpu.wait_dma2 semaphore(%dma_wait3A_949 : memref<!tpu.dma_semaphore, #tpu.memory_space<semaphore_mem>>) src(%dma_wait3A_953 : memref<128x64xf32, #tpu.memory_space<hbm>>) dst(%dma_wait3A_952 : memref<128x64xf32, #tpu.memory_space<vmem>>)
    } else {
    }
    %dma_start3A_816 = arith.constant 1 : i32
    %dma_start3A_817 = arith.constant 128 : i32
    %dma_start3A_818 = arith.constant 0 : i32
    %dma_start3A_819 = tpu.memref_slice %arg5[%dma_start3A_817, %dma_start3A_818] : memref<640x64xf32, #tpu.memory_space<vmem>> -> memref<128x64xf32, #tpu.memory_space<vmem>>
    %dma_start3A_820 = arith.constant 0 : i32
    %dma_start3A_821 = tpu.memref_slice %arg6[%dma_start3A_816, %dma_start3A_820] : memref<5x128xi32, #tpu.memory_space<vmem>> -> memref<1x128xi32, #tpu.memory_space<vmem>>
    %dma_start3A_822 = tpu.memref_squeeze %dma_start3A_821 : memref<1x128xi32, #tpu.memory_space<vmem>> -> memref<128xi32, #tpu.memory_space<vmem>>
    %dma_start3A_823 = arith.constant 0 : i32
    %dma_start3A_824 = arith.constant 0 : i32
    %dma_start3A_825 = tpu.memref_slice %arg8[%dma_start3A_823, %dma_start3A_824] : memref<512x64xf32, #tpu.memory_space<vmem_shared>> -> memref<512x64xf32, #tpu.memory_space<vmem_shared>>
    tpu.enqueue_indirect_dma source(%dma_start3A_819 : memref<128x64xf32, #tpu.memory_space<vmem>>) target(%dma_start3A_825 : memref<512x64xf32, #tpu.memory_space<vmem_shared>>) offsets(%dma_start3A_822 : memref<128xi32, #tpu.memory_space<vmem>>) semaphore(%arg10 : memref<!tpu.dma_semaphore, #tpu.memory_space<semaphore_mem>>) {add = true}
    %lt3A_826 = arith.constant 15 : i32
    %lt3A_827 = arith.cmpi slt, %arg1, %lt3A_826 : i32
    %or3A_828 = arith.constant true
    %or3A_829 = arith.ori %lt3A_827, %or3A_828 : i1
    %convert_element_type3A_830 = arith.extui %or3A_829 : i1 to i32
    %cond3A_831 = arith.constant 0 : i32
    %cond3A_832 = arith.cmpi ne, %convert_element_type3A_830, %cond3A_831 : i32
    scf.if %cond3A_832 {
      %add3A = arith.constant 256 : i32
      %add3A_942 = arith.addi %mul3A_2, %add3A : i32
      %dma_wait3A_943 = arith.constant 2 : i32
      %dma_wait3A_944 = arith.constant 256 : i32
      %dma_wait3A_945 = arith.constant 0 : i32
      %dma_wait3A_946 = tpu.memref_slice %arg5[%dma_wait3A_944, %dma_wait3A_945] : memref<640x64xf32, #tpu.memory_space<vmem>> -> memref<128x64xf32, #tpu.memory_space<vmem>>
      %dma_wait3A_947 = tpu.memref_slice %arg2[%add3A_942, %mul3A_0] : memref<10000x128xf32, #tpu.memory_space<hbm>> -> memref<128x64xf32, #tpu.memory_space<hbm>>
      %dma_wait3A_948 = tpu.memref_slice %arg9[%dma_wait3A_943] : memref<5x!tpu.dma_semaphore, #tpu.memory_space<semaphore_mem>> -> memref<1x!tpu.dma_semaphore, #tpu.memory_space<semaphore_mem>>
      %dma_wait3A_949 = tpu.memref_squeeze %dma_wait3A_948 : memref<1x!tpu.dma_semaphore, #tpu.memory_space<semaphore_mem>> -> memref<!tpu.dma_semaphore, #tpu.memory_space<semaphore_mem>>
      %dma_wait3A_950 = arith.constant 256 : i32
      %dma_wait3A_951 = arith.constant 0 : i32
      %dma_wait3A_952 = tpu.memref_slice %arg5[%dma_wait3A_950, %dma_wait3A_951] : memref<640x64xf32, #tpu.memory_space<vmem>> -> memref<128x64xf32, #tpu.memory_space<vmem>>
      %dma_wait3A_953 = tpu.memref_slice %arg2[%add3A_942, %mul3A_0] : memref<10000x128xf32, #tpu.memory_space<hbm>> -> memref<128x64xf32, #tpu.memory_space<hbm>>
      tpu.wait_dma2 semaphore(%dma_wait3A_949 : memref<!tpu.dma_semaphore, #tpu.memory_space<semaphore_mem>>) src(%dma_wait3A_953 : memref<128x64xf32, #tpu.memory_space<hbm>>) dst(%dma_wait3A_952 : memref<128x64xf32, #tpu.memory_space<vmem>>)
    } else {
    }
    %dma_start3A_833 = arith.constant 2 : i32
    %dma_start3A_834 = arith.constant 256 : i32
    %dma_start3A_835 = arith.constant 0 : i32
    %dma_start3A_836 = tpu.memref_slice %arg5[%dma_start3A_834, %dma_start3A_835] : memref<640x64xf32, #tpu.memory_space<vmem>> -> memref<128x64xf32, #tpu.memory_space<vmem>>
    %dma_start3A_837 = arith.constant 0 : i32
    %dma_start3A_838 = tpu.memref_slice %arg6[%dma_start3A_833, %dma_start3A_837] : memref<5x128xi32, #tpu.memory_space<vmem>> -> memref<1x128xi32, #tpu.memory_space<vmem>>
    %dma_start3A_839 = tpu.memref_squeeze %dma_start3A_838 : memref<1x128xi32, #tpu.memory_space<vmem>> -> memref<128xi32, #tpu.memory_space<vmem>>
    %dma_start3A_840 = arith.constant 0 : i32
    %dma_start3A_841 = arith.constant 0 : i32
    %dma_start3A_842 = tpu.memref_slice %arg8[%dma_start3A_840, %dma_start3A_841] : memref<512x64xf32, #tpu.memory_space<vmem_shared>> -> memref<512x64xf32, #tpu.memory_space<vmem_shared>>
    tpu.enqueue_indirect_dma source(%dma_start3A_836 : memref<128x64xf32, #tpu.memory_space<vmem>>) target(%dma_start3A_842 : memref<512x64xf32, #tpu.memory_space<vmem_shared>>) offsets(%dma_start3A_839 : memref<128xi32, #tpu.memory_space<vmem>>) semaphore(%arg10 : memref<!tpu.dma_semaphore, #tpu.memory_space<semaphore_mem>>) {add = true}
    %lt3A_843 = arith.constant 15 : i32
    %lt3A_844 = arith.cmpi slt, %arg1, %lt3A_843 : i32
    %or3A_845 = arith.constant false
    %or3A_846 = arith.ori %lt3A_844, %or3A_845 : i1
    %convert_element_type3A_847 = arith.extui %or3A_846 : i1 to i32
    %cond3A_848 = arith.constant 0 : i32
    %cond3A_849 = arith.cmpi ne, %convert_element_type3A_847, %cond3A_848 : i32
    scf.if %cond3A_849 {
      %add3A = arith.constant 384 : i32
      %add3A_942 = arith.addi %mul3A_2, %add3A : i32
      %dma_wait3A_943 = arith.constant 3 : i32
      %dma_wait3A_944 = arith.constant 384 : i32
      %dma_wait3A_945 = arith.constant 0 : i32
      %dma_wait3A_946 = tpu.memref_slice %arg5[%dma_wait3A_944, %dma_wait3A_945] : memref<640x64xf32, #tpu.memory_space<vmem>> -> memref<128x64xf32, #tpu.memory_space<vmem>>
      %dma_wait3A_947 = tpu.memref_slice %arg2[%add3A_942, %mul3A_0] : memref<10000x128xf32, #tpu.memory_space<hbm>> -> memref<128x64xf32, #tpu.memory_space<hbm>>
      %dma_wait3A_948 = tpu.memref_slice %arg9[%dma_wait3A_943] : memref<5x!tpu.dma_semaphore, #tpu.memory_space<semaphore_mem>> -> memref<1x!tpu.dma_semaphore, #tpu.memory_space<semaphore_mem>>
      %dma_wait3A_949 = tpu.memref_squeeze %dma_wait3A_948 : memref<1x!tpu.dma_semaphore, #tpu.memory_space<semaphore_mem>> -> memref<!tpu.dma_semaphore, #tpu.memory_space<semaphore_mem>>
      %dma_wait3A_950 = arith.constant 384 : i32
      %dma_wait3A_951 = arith.constant 0 : i32
      %dma_wait3A_952 = tpu.memref_slice %arg5[%dma_wait3A_950, %dma_wait3A_951] : memref<640x64xf32, #tpu.memory_space<vmem>> -> memref<128x64xf32, #tpu.memory_space<vmem>>
      %dma_wait3A_953 = tpu.memref_slice %arg2[%add3A_942, %mul3A_0] : memref<10000x128xf32, #tpu.memory_space<hbm>> -> memref<128x64xf32, #tpu.memory_space<hbm>>
      tpu.wait_dma2 semaphore(%dma_wait3A_949 : memref<!tpu.dma_semaphore, #tpu.memory_space<semaphore_mem>>) src(%dma_wait3A_953 : memref<128x64xf32, #tpu.memory_space<hbm>>) dst(%dma_wait3A_952 : memref<128x64xf32, #tpu.memory_space<vmem>>)
    } else {
    }
    %eq3A_850 = arith.constant 15 : i32
    %eq3A_851 = arith.cmpi eq, %arg1, %eq3A_850 : i32
    %convert_element_type3A_852 = arith.extui %eq3A_851 : i1 to i32
    %cond3A_853 = arith.constant 0 : i32
    %cond3A_854 = arith.cmpi ne, %convert_element_type3A_852, %cond3A_853 : i32
    scf.if %cond3A_854 {
      %add3A = arith.constant 384 : i32
      %add3A_942 = arith.addi %mul3A_2, %add3A : i32
      %dma_wait3A_943 = arith.constant 3 : i32
      %dma_wait3A_944 = arith.constant 384 : i32
      %dma_wait3A_945 = arith.constant 0 : i32
      %dma_wait3A_946 = tpu.memref_slice %arg5[%dma_wait3A_944, %dma_wait3A_945] : memref<640x64xf32, #tpu.memory_space<vmem>> -> memref<16x64xf32, #tpu.memory_space<vmem>>
      %dma_wait3A_947 = tpu.memref_slice %arg2[%add3A_942, %mul3A_0] : memref<10000x128xf32, #tpu.memory_space<hbm>> -> memref<16x64xf32, #tpu.memory_space<hbm>>
      %dma_wait3A_948 = tpu.memref_slice %arg9[%dma_wait3A_943] : memref<5x!tpu.dma_semaphore, #tpu.memory_space<semaphore_mem>> -> memref<1x!tpu.dma_semaphore, #tpu.memory_space<semaphore_mem>>
      %dma_wait3A_949 = tpu.memref_squeeze %dma_wait3A_948 : memref<1x!tpu.dma_semaphore, #tpu.memory_space<semaphore_mem>> -> memref<!tpu.dma_semaphore, #tpu.memory_space<semaphore_mem>>
      %dma_wait3A_950 = arith.constant 384 : i32
      %dma_wait3A_951 = arith.constant 0 : i32
      %dma_wait3A_952 = tpu.memref_slice %arg5[%dma_wait3A_950, %dma_wait3A_951] : memref<640x64xf32, #tpu.memory_space<vmem>> -> memref<16x64xf32, #tpu.memory_space<vmem>>
      %dma_wait3A_953 = tpu.memref_slice %arg2[%add3A_942, %mul3A_0] : memref<10000x128xf32, #tpu.memory_space<hbm>> -> memref<16x64xf32, #tpu.memory_space<hbm>>
      tpu.wait_dma2 semaphore(%dma_wait3A_949 : memref<!tpu.dma_semaphore, #tpu.memory_space<semaphore_mem>>) src(%dma_wait3A_953 : memref<16x64xf32, #tpu.memory_space<hbm>>) dst(%dma_wait3A_952 : memref<16x64xf32, #tpu.memory_space<vmem>>)
    } else {
    }
    %dma_start3A_855 = arith.constant 3 : i32
    %dma_start3A_856 = arith.constant 384 : i32
    %dma_start3A_857 = arith.constant 0 : i32
    %dma_start3A_858 = tpu.memref_slice %arg5[%dma_start3A_856, %dma_start3A_857] : memref<640x64xf32, #tpu.memory_space<vmem>> -> memref<128x64xf32, #tpu.memory_space<vmem>>
    %dma_start3A_859 = arith.constant 0 : i32
    %dma_start3A_860 = tpu.memref_slice %arg6[%dma_start3A_855, %dma_start3A_859] : memref<5x128xi32, #tpu.memory_space<vmem>> -> memref<1x128xi32, #tpu.memory_space<vmem>>
    %dma_start3A_861 = tpu.memref_squeeze %dma_start3A_860 : memref<1x128xi32, #tpu.memory_space<vmem>> -> memref<128xi32, #tpu.memory_space<vmem>>
    %dma_start3A_862 = arith.constant 0 : i32
    %dma_start3A_863 = arith.constant 0 : i32
    %dma_start3A_864 = tpu.memref_slice %arg8[%dma_start3A_862, %dma_start3A_863] : memref<512x64xf32, #tpu.memory_space<vmem_shared>> -> memref<512x64xf32, #tpu.memory_space<vmem_shared>>
    tpu.enqueue_indirect_dma source(%dma_start3A_858 : memref<128x64xf32, #tpu.memory_space<vmem>>) target(%dma_start3A_864 : memref<512x64xf32, #tpu.memory_space<vmem_shared>>) offsets(%dma_start3A_861 : memref<128xi32, #tpu.memory_space<vmem>>) semaphore(%arg10 : memref<!tpu.dma_semaphore, #tpu.memory_space<semaphore_mem>>) {add = true}
    %lt3A_865 = arith.constant 15 : i32
    %lt3A_866 = arith.cmpi slt, %arg1, %lt3A_865 : i32
    %or3A_867 = arith.constant false
    %or3A_868 = arith.ori %lt3A_866, %or3A_867 : i1
    %convert_element_type3A_869 = arith.extui %or3A_868 : i1 to i32
    %cond3A_870 = arith.constant 0 : i32
    %cond3A_871 = arith.cmpi ne, %convert_element_type3A_869, %cond3A_870 : i32
    scf.if %cond3A_871 {
      %add3A = arith.constant 512 : i32
      %add3A_942 = arith.addi %mul3A_2, %add3A : i32
      %dma_wait3A_943 = arith.constant 4 : i32
      %dma_wait3A_944 = arith.constant 512 : i32
      %dma_wait3A_945 = arith.constant 0 : i32
      %dma_wait3A_946 = tpu.memref_slice %arg5[%dma_wait3A_944, %dma_wait3A_945] : memref<640x64xf32, #tpu.memory_space<vmem>> -> memref<128x64xf32, #tpu.memory_space<vmem>>
      %dma_wait3A_947 = tpu.memref_slice %arg2[%add3A_942, %mul3A_0] : memref<10000x128xf32, #tpu.memory_space<hbm>> -> memref<128x64xf32, #tpu.memory_space<hbm>>
      %dma_wait3A_948 = tpu.memref_slice %arg9[%dma_wait3A_943] : memref<5x!tpu.dma_semaphore, #tpu.memory_space<semaphore_mem>> -> memref<1x!tpu.dma_semaphore, #tpu.memory_space<semaphore_mem>>
      %dma_wait3A_949 = tpu.memref_squeeze %dma_wait3A_948 : memref<1x!tpu.dma_semaphore, #tpu.memory_space<semaphore_mem>> -> memref<!tpu.dma_semaphore, #tpu.memory_space<semaphore_mem>>
      %dma_wait3A_950 = arith.constant 512 : i32
      %dma_wait3A_951 = arith.constant 0 : i32
      %dma_wait3A_952 = tpu.memref_slice %arg5[%dma_wait3A_950, %dma_wait3A_951] : memref<640x64xf32, #tpu.memory_space<vmem>> -> memref<128x64xf32, #tpu.memory_space<vmem>>
      %dma_wait3A_953 = tpu.memref_slice %arg2[%add3A_942, %mul3A_0] : memref<10000x128xf32, #tpu.memory_space<hbm>> -> memref<128x64xf32, #tpu.memory_space<hbm>>
      tpu.wait_dma2 semaphore(%dma_wait3A_949 : memref<!tpu.dma_semaphore, #tpu.memory_space<semaphore_mem>>) src(%dma_wait3A_953 : memref<128x64xf32, #tpu.memory_space<hbm>>) dst(%dma_wait3A_952 : memref<128x64xf32, #tpu.memory_space<vmem>>)
    } else {
    }
    %dma_start3A_872 = arith.constant 4 : i32
    %dma_start3A_873 = arith.constant 512 : i32
    %dma_start3A_874 = arith.constant 0 : i32
    %dma_start3A_875 = tpu.memref_slice %arg5[%dma_start3A_873, %dma_start3A_874] : memref<640x64xf32, #tpu.memory_space<vmem>> -> memref<128x64xf32, #tpu.memory_space<vmem>>
    %dma_start3A_876 = arith.constant 0 : i32
    %dma_start3A_877 = tpu.memref_slice %arg6[%dma_start3A_872, %dma_start3A_876] : memref<5x128xi32, #tpu.memory_space<vmem>> -> memref<1x128xi32, #tpu.memory_space<vmem>>
    %dma_start3A_878 = tpu.memref_squeeze %dma_start3A_877 : memref<1x128xi32, #tpu.memory_space<vmem>> -> memref<128xi32, #tpu.memory_space<vmem>>
    %dma_start3A_879 = arith.constant 0 : i32
    %dma_start3A_880 = arith.constant 0 : i32
    %dma_start3A_881 = tpu.memref_slice %arg8[%dma_start3A_879, %dma_start3A_880] : memref<512x64xf32, #tpu.memory_space<vmem_shared>> -> memref<512x64xf32, #tpu.memory_space<vmem_shared>>
    tpu.enqueue_indirect_dma source(%dma_start3A_875 : memref<128x64xf32, #tpu.memory_space<vmem>>) target(%dma_start3A_881 : memref<512x64xf32, #tpu.memory_space<vmem_shared>>) offsets(%dma_start3A_878 : memref<128xi32, #tpu.memory_space<vmem>>) semaphore(%arg10 : memref<!tpu.dma_semaphore, #tpu.memory_space<semaphore_mem>>) {add = true}
    %dma_wait3A = arith.constant 0 : i32
    %dma_wait3A_882 = arith.constant 0 : i32
    %dma_wait3A_883 = arith.constant 0 : i32
    %dma_wait3A_884 = tpu.memref_slice %arg5[%dma_wait3A_882, %dma_wait3A_883] : memref<640x64xf32, #tpu.memory_space<vmem>> -> memref<128x64xf32, #tpu.memory_space<vmem>>
    %dma_wait3A_885 = arith.constant 0 : i32
    %dma_wait3A_886 = tpu.memref_slice %arg6[%dma_wait3A, %dma_wait3A_885] : memref<5x128xi32, #tpu.memory_space<vmem>> -> memref<1x128xi32, #tpu.memory_space<vmem>>
    %dma_wait3A_887 = tpu.memref_squeeze %dma_wait3A_886 : memref<1x128xi32, #tpu.memory_space<vmem>> -> memref<128xi32, #tpu.memory_space<vmem>>
    %dma_wait3A_888 = arith.constant 0 : i32
    %dma_wait3A_889 = arith.constant 0 : i32
    %dma_wait3A_890 = tpu.memref_slice %arg8[%dma_wait3A_888, %dma_wait3A_889] : memref<512x64xf32, #tpu.memory_space<vmem_shared>> -> memref<512x64xf32, #tpu.memory_space<vmem_shared>>
    tpu.wait_indirect_dma semaphore(%arg10 : memref<!tpu.dma_semaphore, #tpu.memory_space<semaphore_mem>>) src(%dma_wait3A_884 : memref<128x64xf32, #tpu.memory_space<vmem>>) dst(%dma_wait3A_890 : memref<512x64xf32, #tpu.memory_space<vmem_shared>>)
    %dma_wait3A_891 = arith.constant 1 : i32
    %dma_wait3A_892 = arith.constant 128 : i32
    %dma_wait3A_893 = arith.constant 0 : i32
    %dma_wait3A_894 = tpu.memref_slice %arg5[%dma_wait3A_892, %dma_wait3A_893] : memref<640x64xf32, #tpu.memory_space<vmem>> -> memref<128x64xf32, #tpu.memory_space<vmem>>
    %dma_wait3A_895 = arith.constant 0 : i32
    %dma_wait3A_896 = tpu.memref_slice %arg6[%dma_wait3A_891, %dma_wait3A_895] : memref<5x128xi32, #tpu.memory_space<vmem>> -> memref<1x128xi32, #tpu.memory_space<vmem>>
    %dma_wait3A_897 = tpu.memref_squeeze %dma_wait3A_896 : memref<1x128xi32, #tpu.memory_space<vmem>> -> memref<128xi32, #tpu.memory_space<vmem>>
    %dma_wait3A_898 = arith.constant 0 : i32
    %dma_wait3A_899 = arith.constant 0 : i32
    %dma_wait3A_900 = tpu.memref_slice %arg8[%dma_wait3A_898, %dma_wait3A_899] : memref<512x64xf32, #tpu.memory_space<vmem_shared>> -> memref<512x64xf32, #tpu.memory_space<vmem_shared>>
    tpu.wait_indirect_dma semaphore(%arg10 : memref<!tpu.dma_semaphore, #tpu.memory_space<semaphore_mem>>) src(%dma_wait3A_894 : memref<128x64xf32, #tpu.memory_space<vmem>>) dst(%dma_wait3A_900 : memref<512x64xf32, #tpu.memory_space<vmem_shared>>)
    %dma_wait3A_901 = arith.constant 2 : i32
    %dma_wait3A_902 = arith.constant 256 : i32
    %dma_wait3A_903 = arith.constant 0 : i32
    %dma_wait3A_904 = tpu.memref_slice %arg5[%dma_wait3A_902, %dma_wait3A_903] : memref<640x64xf32, #tpu.memory_space<vmem>> -> memref<128x64xf32, #tpu.memory_space<vmem>>
    %dma_wait3A_905 = arith.constant 0 : i32
    %dma_wait3A_906 = tpu.memref_slice %arg6[%dma_wait3A_901, %dma_wait3A_905] : memref<5x128xi32, #tpu.memory_space<vmem>> -> memref<1x128xi32, #tpu.memory_space<vmem>>
    %dma_wait3A_907 = tpu.memref_squeeze %dma_wait3A_906 : memref<1x128xi32, #tpu.memory_space<vmem>> -> memref<128xi32, #tpu.memory_space<vmem>>
    %dma_wait3A_908 = arith.constant 0 : i32
    %dma_wait3A_909 = arith.constant 0 : i32
    %dma_wait3A_910 = tpu.memref_slice %arg8[%dma_wait3A_908, %dma_wait3A_909] : memref<512x64xf32, #tpu.memory_space<vmem_shared>> -> memref<512x64xf32, #tpu.memory_space<vmem_shared>>
    tpu.wait_indirect_dma semaphore(%arg10 : memref<!tpu.dma_semaphore, #tpu.memory_space<semaphore_mem>>) src(%dma_wait3A_904 : memref<128x64xf32, #tpu.memory_space<vmem>>) dst(%dma_wait3A_910 : memref<512x64xf32, #tpu.memory_space<vmem_shared>>)
    %dma_wait3A_911 = arith.constant 3 : i32
    %dma_wait3A_912 = arith.constant 384 : i32
    %dma_wait3A_913 = arith.constant 0 : i32
    %dma_wait3A_914 = tpu.memref_slice %arg5[%dma_wait3A_912, %dma_wait3A_913] : memref<640x64xf32, #tpu.memory_space<vmem>> -> memref<128x64xf32, #tpu.memory_space<vmem>>
    %dma_wait3A_915 = arith.constant 0 : i32
    %dma_wait3A_916 = tpu.memref_slice %arg6[%dma_wait3A_911, %dma_wait3A_915] : memref<5x128xi32, #tpu.memory_space<vmem>> -> memref<1x128xi32, #tpu.memory_space<vmem>>
    %dma_wait3A_917 = tpu.memref_squeeze %dma_wait3A_916 : memref<1x128xi32, #tpu.memory_space<vmem>> -> memref<128xi32, #tpu.memory_space<vmem>>
    %dma_wait3A_918 = arith.constant 0 : i32
    %dma_wait3A_919 = arith.constant 0 : i32
    %dma_wait3A_920 = tpu.memref_slice %arg8[%dma_wait3A_918, %dma_wait3A_919] : memref<512x64xf32, #tpu.memory_space<vmem_shared>> -> memref<512x64xf32, #tpu.memory_space<vmem_shared>>
    tpu.wait_indirect_dma semaphore(%arg10 : memref<!tpu.dma_semaphore, #tpu.memory_space<semaphore_mem>>) src(%dma_wait3A_914 : memref<128x64xf32, #tpu.memory_space<vmem>>) dst(%dma_wait3A_920 : memref<512x64xf32, #tpu.memory_space<vmem_shared>>)
    %dma_wait3A_921 = arith.constant 4 : i32
    %dma_wait3A_922 = arith.constant 512 : i32
    %dma_wait3A_923 = arith.constant 0 : i32
    %dma_wait3A_924 = tpu.memref_slice %arg5[%dma_wait3A_922, %dma_wait3A_923] : memref<640x64xf32, #tpu.memory_space<vmem>> -> memref<128x64xf32, #tpu.memory_space<vmem>>
    %dma_wait3A_925 = arith.constant 0 : i32
    %dma_wait3A_926 = tpu.memref_slice %arg6[%dma_wait3A_921, %dma_wait3A_925] : memref<5x128xi32, #tpu.memory_space<vmem>> -> memref<1x128xi32, #tpu.memory_space<vmem>>
    %dma_wait3A_927 = tpu.memref_squeeze %dma_wait3A_926 : memref<1x128xi32, #tpu.memory_space<vmem>> -> memref<128xi32, #tpu.memory_space<vmem>>
    %dma_wait3A_928 = arith.constant 0 : i32
    %dma_wait3A_929 = arith.constant 0 : i32
    %dma_wait3A_930 = tpu.memref_slice %arg8[%dma_wait3A_928, %dma_wait3A_929] : memref<512x64xf32, #tpu.memory_space<vmem_shared>> -> memref<512x64xf32, #tpu.memory_space<vmem_shared>>
    tpu.wait_indirect_dma semaphore(%arg10 : memref<!tpu.dma_semaphore, #tpu.memory_space<semaphore_mem>>) src(%dma_wait3A_924 : memref<128x64xf32, #tpu.memory_space<vmem>>) dst(%dma_wait3A_930 : memref<512x64xf32, #tpu.memory_space<vmem_shared>>)
    %barrier3A_931 = arith.constant 0 : index
    tpu.barrier barrier_id(%barrier3A_931)
    %lt3A_932 = arith.constant 15 : i32
    %lt3A_933 = arith.cmpi slt, %arg1, %lt3A_932 : i32
    %convert_element_type3A_934 = arith.extui %lt3A_933 : i1 to i32
    %cond3A_935 = arith.constant 0 : i32
    %cond3A_936 = arith.cmpi ne, %convert_element_type3A_934, %cond3A_935 : i32
    scf.if %cond3A_936 {
      %mul3A_942 = arith.constant 32 : i32
      %mul3A_943 = arith.muli %arg1, %mul3A_942 : i32
      %mul3A_944 = arith.constant 32 : i32
      %mul3A_945 = arith.muli %arg1, %mul3A_944 : i32
      "tpu.region"() ({
        %run_scoped3A = tpu.sem_alloc : memref<!tpu.dma_semaphore, #tpu.memory_space<semaphore_mem>>
        %dma_start3A_946 = tpu.memref_slice %arg4[%mul3A_945, %mul3A_0] : memref<500x128xf32, #tpu.memory_space<hbm>> -> memref<32x64xf32, #tpu.memory_space<hbm>>
        %dma_start3A_947 = arith.constant 0 : i32
        %dma_start3A_948 = tpu.memref_slice %arg8[%mul3A_943, %dma_start3A_947] : memref<512x64xf32, #tpu.memory_space<vmem_shared>> -> memref<32x64xf32, #tpu.memory_space<vmem_shared>>
        tpu.enqueue_dma source(%dma_start3A_948 : memref<32x64xf32, #tpu.memory_space<vmem_shared>>) target(%dma_start3A_946 : memref<32x64xf32, #tpu.memory_space<hbm>>) target_semaphore(%run_scoped3A : memref<!tpu.dma_semaphore, #tpu.memory_space<semaphore_mem>>)
        %dma_wait3A_949 = tpu.memref_slice %arg4[%mul3A_945, %mul3A_0] : memref<500x128xf32, #tpu.memory_space<hbm>> -> memref<32x64xf32, #tpu.memory_space<hbm>>
        %dma_wait3A_950 = arith.constant 0 : i32
        %dma_wait3A_951 = tpu.memref_slice %arg8[%mul3A_943, %dma_wait3A_950] : memref<512x64xf32, #tpu.memory_space<vmem_shared>> -> memref<32x64xf32, #tpu.memory_space<vmem_shared>>
        tpu.wait_dma2 semaphore(%run_scoped3A : memref<!tpu.dma_semaphore, #tpu.memory_space<semaphore_mem>>) src(%dma_wait3A_951 : memref<32x64xf32, #tpu.memory_space<vmem_shared>>) dst(%dma_wait3A_949 : memref<32x64xf32, #tpu.memory_space<hbm>>)
        tpu.yield
      }) : () -> ()
    } else {
    }
    %eq3A_937 = arith.constant 15 : i32
    %eq3A_938 = arith.cmpi eq, %arg1, %eq3A_937 : i32
    %convert_element_type3A_939 = arith.extui %eq3A_938 : i1 to i32
    %cond3A_940 = arith.constant 0 : i32
    %cond3A_941 = arith.cmpi ne, %convert_element_type3A_939, %cond3A_940 : i32
    scf.if %cond3A_941 {
      "tpu.region"() ({
        %run_scoped3A = tpu.sem_alloc : memref<!tpu.dma_semaphore, #tpu.memory_space<semaphore_mem>>
        %dma_start3A_942 = arith.constant 480 : i32
        %dma_start3A_943 = tpu.memref_slice %arg4[%dma_start3A_942, %mul3A_0] : memref<500x128xf32, #tpu.memory_space<hbm>> -> memref<20x64xf32, #tpu.memory_space<hbm>>
        %dma_start3A_944 = arith.constant 480 : i32
        %dma_start3A_945 = arith.constant 0 : i32
        %dma_start3A_946 = tpu.memref_slice %arg8[%dma_start3A_944, %dma_start3A_945] : memref<512x64xf32, #tpu.memory_space<vmem_shared>> -> memref<20x64xf32, #tpu.memory_space<vmem_shared>>
        tpu.enqueue_dma source(%dma_start3A_946 : memref<20x64xf32, #tpu.memory_space<vmem_shared>>) target(%dma_start3A_943 : memref<20x64xf32, #tpu.memory_space<hbm>>) target_semaphore(%run_scoped3A : memref<!tpu.dma_semaphore, #tpu.memory_space<semaphore_mem>>)
        %dma_wait3A_947 = arith.constant 480 : i32
        %dma_wait3A_948 = tpu.memref_slice %arg4[%dma_wait3A_947, %mul3A_0] : memref<500x128xf32, #tpu.memory_space<hbm>> -> memref<20x64xf32, #tpu.memory_space<hbm>>
        %dma_wait3A_949 = arith.constant 480 : i32
        %dma_wait3A_950 = arith.constant 0 : i32
        %dma_wait3A_951 = tpu.memref_slice %arg8[%dma_wait3A_949, %dma_wait3A_950] : memref<512x64xf32, #tpu.memory_space<vmem_shared>> -> memref<20x64xf32, #tpu.memory_space<vmem_shared>>
        tpu.wait_dma2 semaphore(%run_scoped3A : memref<!tpu.dma_semaphore, #tpu.memory_space<semaphore_mem>>) src(%dma_wait3A_951 : memref<20x64xf32, #tpu.memory_space<vmem_shared>>) dst(%dma_wait3A_948 : memref<20x64xf32, #tpu.memory_space<hbm>>)
        tpu.yield
      }) : () -> ()
    } else {
    }
    return
  }
}

module attributes {stable_mosaic.version = 14 : i64} {
  func.func @_tc_body(%arg0: memref<10000xi32, #tpu.memory_space<vmem>>, %arg1: memref<10000x128xf32, #tpu.memory_space<vmem>>, %arg2: memref<16x128xf32, #tpu.memory_space<vmem>>, %arg3: memref<10000x128xf32, #tpu.memory_space<vmem>>) attributes {dimension_semantics = [], scalar_prefetch = 0 : i64, scratch_operands = 0 : i64, tpu.core_type = #tpu.core_type<tc>} {
    %get3A = arith.constant 0 : index
    %get3A_0 = vector.load %arg0[%get3A] : memref<10000xi32, #tpu.memory_space<vmem>>, vector<10000xi32>
    %reshape3A = vector.shape_cast %get3A_0 : vector<10000xi32> to vector<10000x1xi32>
    %iota3A = tpu.iota {dimensions = array<i32: 1>} : vector<1x16xi32>
    %eq3A = vector.broadcast %reshape3A : vector<10000x1xi32> to vector<10000x16xi32>
    %eq3A_1 = vector.broadcast %iota3A : vector<1x16xi32> to vector<10000x16xi32>
    %eq3A_2 = arith.cmpi eq, %eq3A, %eq3A_1 : vector<10000x16xi32>
    %convert_element_type3A = arith.extui %eq3A_2 : vector<10000x16xi1> to vector<10000x16xi32>
    %convert_element_type3A_3 = arith.sitofp %convert_element_type3A : vector<10000x16xi32> to vector<10000x16xf32>
    %get3A_4 = arith.constant 0 : index
    %get3A_5 = arith.constant 0 : index
    %get3A_6 = vector.load %arg1[%get3A_4, %get3A_5] : memref<10000x128xf32, #tpu.memory_space<vmem>>, vector<10000x128xf32>
    %dot_general3A = arith.constant dense<0.000000e+00> : vector<16x128xf32>
    %dot_general3A_7 = tpu.matmul %convert_element_type3A_3, %get3A_6, %dot_general3A {dimension_numbers = #tpu.dot_dimension_numbers<[0], [0], [1], [1], [0, 1, 1, 1], [], []>, precision = #tpu.contract_precision<fp32>, transpose_lhs_hint = false} : vector<10000x16xf32>, vector<10000x128xf32>, vector<16x128xf32> -> vector<16x128xf32>
    %swap3A = arith.constant 0 : index
    %swap3A_8 = arith.constant 0 : index
    %swap3A_9 = vector.load %arg2[%swap3A, %swap3A_8] : memref<16x128xf32, #tpu.memory_space<vmem>>, vector<16x128xf32>
    tpu.vector_store %arg2[%swap3A, %swap3A_8], %dot_general3A_7 {strides = array<i32>} : memref<16x128xf32, #tpu.memory_space<vmem>>, vector<16x128xf32>,
    %get3A_10 = arith.constant 0 : index
    %get3A_11 = arith.constant 0 : index
    %get3A_12 = vector.load %arg1[%get3A_10, %get3A_11] : memref<10000x128xf32, #tpu.memory_space<vmem>>, vector<10000x128xf32>
    %swap3A_13 = arith.constant 0 : index
    %swap3A_14 = arith.constant 0 : index
    %swap3A_15 = vector.load %arg3[%swap3A_13, %swap3A_14] : memref<10000x128xf32, #tpu.memory_space<vmem>>, vector<10000x128xf32>
    tpu.vector_store %arg3[%swap3A_13, %swap3A_14], %get3A_12 {strides = array<i32>} : memref<10000x128xf32, #tpu.memory_space<vmem>>, vector<10000x128xf32>,
    return
  }
}

</mosaic_0001>

<sc_bundles>
// kernel: _encoder_pool.4.cloned.1.call-start
scs
__scs_entry_jumppad:
0x0: {  	(pc) =	sbr.rel $0x88, $3  }
0x1: {  	(tag) =	ssettag $0x0;
	lr =	simm.s32 $0x1  }
0x2: {  	[smem:$0x3F9D] =	sst lr;
	_ =	strace $0xD0000000  }
0x3: {  	_ = 	snop  }
0x4: {  	_ = 	snop  }
0x5: {  	_ = 	snop  }
0x6: {  	_ = 	snop  }
0x7: {  	_ = 	snop  }
__scs_overlays_trampoline_lowered:
0x8: {  	[smem:$0x3FAC] =	sst s0  }
0x9: {  	[smem:$0x3FAD] =	sst s1  }
0xa: {  	[smem:$0x3FAE] =	sst s2  }
0xb: {  	[smem:$0x3FAF] =	sst s3  }
0xc: {  	[smem:$0x3FB0] =	sst s4  }
0xd: {  	[smem:$0x3FB1] =	sst s5  }
0xe: {  	[smem:$0x3FB2] =	sst s6  }
0xf: {  	[smem:$0x3FB3] =	sst s7  }
0x10: {  	[smem:$0x3FB4] =	sst s8  }
0x11: {  	[smem:$0x3FB5] =	sst s9;
	s0 =	simm.s32 @!p0 $0x0  }
0x12: {  	s1 =	sld [smem:$0x3F9B];
	s0 =	simm.s32 @p0 $0x1  }
0x13: {  	[smem:$0x3FB6] =	sst s0;
	s0 =	simm.s32 @!p1 $0x0  }
0x14: {  	s2 =	sld [smem:$0x3F9A];
	s0 =	simm.s32 @p1 $0x1  }
0x15: {  	[smem:$0x3FB7] =	sst s0;
	s0 =	simm.s32 @!p2 $0x0  }
0x16: {  	s3 =	sld [smem:$0x3FDB];
	s0 =	simm.s32 @p2 $0x1  }
0x17: {  	s4 =	simm.s32 $0x1BF5;
	[smem:$0x3FB9] =	sst s0  }
0x18: {  	s0 =	sld [smem:$0x3F9C];
	_ =	swait.ge [sflag:s4], $0x0  }
0x19: {  	s7 =	sld [smem:$0x3F9D]  }
0x1a: {  	s8 =	sadd.s32 $0xFFFFE003, lr  }
0x1b: {  	s9 =	sadd.s32 $0xFFFFFEF7, lr;
	s5 =	simm.s32 $0xFFFFFFFF;
	p2 =	slt.u32 s8, $0xFFFFF086  }
0x1c: {  	p1 =	slt.u32 s9, $0xF7A;
	s5 =	simm.s32 @!p2 $0x0  }
0x1d: {  	s5 =	simm.s32 @p1 $0x1;
	p0 =	seq.s32 s7, s2  }
0x1e: {  	s7 =	smul.u32 @!p0 $0xF7A, s2;
	p2 =	seq.s32 @!p0 s5, $0x0  }
0x1f: {  	s9 =	smul.u32 $0xF7A, s1;
	s8 =	simm.s32 @!p0 $0x1BF5;
	p2 =	por !p2, p0  }
0x20: {  	[sflag:s8] =	ssyncset.s32 @!p0 $0xFFFFF086;
	s6 =	sadd.s32 @!p0 s3, s7;
	s7 =	simm.s32 @!p0 $0x108  }
0x21: {  	s3 =	sadd.s32 s3, s9;
	s6 =	sadd.s32 @!p0 $0x88, s6;
	s7 =	simm.s32 @p2 $0x1082  }
0x22: {  	[simem:s7], [sflag:s8] =	dma.local @!p0 [hbm:s6], $0xF7A  }
0x23: {  	s9 =	sor.u32 $0xD0000000, s2;
	s6 =	simm.s32 $0x108;
	_ =	swait.ge @!p0 [sflag:s8], $0x0  }
0x24: {  	s3 =	sadd.s32 $0x88, s3;
	s6 =	simm.s32 @!p1 $0x1082;
	[sflag:s4] =	ssyncset.s32 $0xFFFFF086  }
0x25: {  	[simem:s6], [sflag:s4] =	dma.local [hbm:s3], $0xF7A  }
0x26: {  	[smem:$0x3F9D] =	sst s1;
	(tag) =	ssettag s2;
	_ =	strace s9  }
0x27: {  	s1 =	sld [smem:$0x3FAD]  }
0x28: {  	s2 =	sld [smem:$0x3FAE]  }
0x29: {  	s4 =	sld [smem:$0x3FB0]  }
0x2a: {  	p0 =	seq.s32 s5, $0x0;
	s5 =	sld [smem:$0x3FB1]  }
0x2b: {  	s6 =	sld [smem:$0x3FB2]  }
0x2c: {  	s7 =	sld [smem:$0x3FB3]  }
0x2d: {  	s3 =	simm.s32 $0x108;
	s8 =	sld [smem:$0x3FB4]  }
0x2e: {  	s3 =	simm.s32 @!p0 $0x1082;
	s9 =	sld [smem:$0x3FB5]  }
0x2f: {  	lr =	sadd.s32 s0, s3;
	s0 =	sld [smem:$0x3FAC]  }
0x30: {  	s3 =	sld [smem:$0x3FAF]  }
0x31: {  	[smem:$0x3FB8] =	sst s10  }
0x32: {  	s10 =	sld [smem:$0x3FB6];
	_ =	sdelay $0x3  }
0x33: {  	p0 =	seq.s32 s10, $0x1;
	s10 =	sld [smem:$0x3FB8];
	_ =	sdelay $0x3  }
0x34: {  	[smem:$0x3FB8] =	sst s10  }
0x35: {  	s10 =	sld [smem:$0x3FB7];
	_ =	sdelay $0x3  }
0x36: {  	p1 =	seq.s32 s10, $0x1;
	s10 =	sld [smem:$0x3FB8];
	_ =	sdelay $0x3  }
0x37: {  	[smem:$0x3FB8] =	sst s10  }
0x38: {  	s10 =	sld [smem:$0x3FB9]  }
0x39: {  	_ = 	snop;
	(pc) =	sbr.ind lr, $3  }
0x3a: {  	_ = 	snop  }
0x3b: {  	_ = 	snop  }
0x3c: {  	p2 =	seq.s32 s10, $0x1;
	s10 =	sld [smem:$0x3FB8]  }
0x3d: {  	_ =	shalt  }
0x3e: {  	_ =	shalt  }
0x3f: {  	_ =	shalt  }
0x40: {  	_ =	shalt  }
0x41: {  	_ =	shalt  }
0x42: {  	_ =	shalt  }
0x43: {  	_ =	shalt  }
0x44: {  	_ =	shalt  }
0x45: {  	_ =	shalt  }
0x46: {  	_ =	shalt  }
0x47: {  	_ =	shalt  }
0x48: {  	_ =	shalt  }
0x49: {  	_ =	shalt  }
0x4a: {  	_ =	shalt  }
0x4b: {  	_ =	shalt  }
0x4c: {  	_ =	shalt  }
0x4d: {  	_ =	shalt  }
0x4e: {  	_ =	shalt  }
0x4f: {  	_ =	shalt  }
0x50: {  	_ =	shalt  }
0x51: {  	_ =	shalt  }
0x52: {  	_ =	shalt  }
0x53: {  	_ =	shalt  }
0x54: {  	_ =	shalt  }
0x55: {  	_ =	shalt  }
0x56: {  	_ =	shalt  }
0x57: {  	_ =	shalt  }
0x58: {  	_ =	shalt  }
0x59: {  	_ =	shalt  }
0x5a: {  	_ =	shalt  }
0x5b: {  	_ =	shalt  }
0x5c: {  	_ =	shalt  }
0x5d: {  	_ =	shalt  }
0x5e: {  	_ =	shalt  }
0x5f: {  	_ =	shalt  }
0x60: {  	_ =	shalt  }
0x61: {  	_ =	shalt  }
0x62: {  	_ =	shalt  }
0x63: {  	_ =	shalt  }
0x64: {  	_ =	shalt  }
0x65: {  	_ =	shalt  }
0x66: {  	_ =	shalt  }
0x67: {  	_ =	shalt  }
0x68: {  	_ =	shalt  }
0x69: {  	_ =	shalt  }
0x6a: {  	_ =	shalt  }
0x6b: {  	_ =	shalt  }
0x6c: {  	_ =	shalt  }
0x6d: {  	_ =	shalt  }
0x6e: {  	_ =	shalt  }
0x6f: {  	_ =	shalt  }
0x70: {  	_ =	shalt  }
0x71: {  	_ =	shalt  }
0x72: {  	_ =	shalt  }
0x73: {  	_ =	shalt  }
0x74: {  	_ =	shalt  }
0x75: {  	_ =	shalt  }
0x76: {  	_ =	shalt  }
0x77: {  	_ =	shalt  }
0x78: {  	_ =	shalt  }
0x79: {  	_ =	shalt  }
0x7a: {  	_ =	shalt  }
0x7b: {  	_ =	shalt  }
0x7c: {  	_ =	shalt  }
0x7d: {  	_ =	shalt  }
0x7e: {  	_ =	shalt  }
0x7f: {  	_ =	shalt  }
0x80: {  	_ =	shalt  }
0x81: {  	_ =	shalt  }
0x82: {  	_ =	shalt  }
0x83: {  	_ =	shalt  }
0x84: {  	_ =	shalt  }
0x85: {  	_ =	shalt  }
0x86: {  	_ =	shalt  }
0x87: {  	_ =	shalt  }
.Lfunc_end0:
.L_simem_size_0:
called_computation_lowered:
.L_overlay_start_0:
0x88: {  	s2 =	sld [smem:$0x3FD9]  }
0x89: {  	s3 =	sld [smem:$0x3FFE];
	_ =	sdelay $0x1  }
0x8a: {  	s1 =	srdreg.scid  }
0x8b: {  	s0 =	sand.u32 $0x1, s1  }
0x8c: {  	s15 =	sshll.u32 s0, $0xA;
	s2 =	sadd.s32 s3, s2  }
0x8d: {  	s2 =	sadd.s32 s2, s15  }
0x8e: {  	[smem:$0x3FC4] =	sst s2  }
0x8f: {  	_ = 	snop  }
0x90: {  	s2 =	sld [smem:$0x3FD0];
	_ =	sdelay $0x1  }
0x91: {  	s16 =	sld [smem:$0x3FC9]  }
0x92: {  	s5 =	simm.s32 $0xA;
	s6 =	simm.s32 $0x10;
	s4 =	sld [smem:$0x3FC8]  }
0x93: {  	[smem:s6], [sflag:s5] =	dma.local [hbm:s2], $0x1  }
0x94: {  	_ =	swait.eq [sflag:s5], $0x1  }
0x95: {  	[sflag:s5] =	ssyncset.done $0x0  }
0x96: {  	[sflag:s5] =	ssyncadd.s32 $0xFFFFFFFF  }
0x97: {  	s17 =	sld [smem:$0x10];
	(tm) =	ssettm $0x1  }
0x98: {  	s18 =	sld [smem:$0x3FFB];
	_ =	sdelay $0x3  }
0x99: {  	_ =	strace s18  }
0x9a: {  	s5 =	sld [smem:$0x3FFC];
	_ =	sdelay $0x3  }
0x9b: {  	_ =	strace s5  }
0x9c: {  	s5 =	sld [smem:$0x3FFD];
	_ =	sdelay $0x3  }
0x9d: {  	_ =	strace s5  }
0x9e: {  	_ =	strace $0x8FFFFFFF  }
0x9f: {  	s19 =	sld [smem:$0x3FDB];
	_ =	sdelay $0x1  }
0xa0: {  	s20 =	simm.s32 $_scs_section_size  }
0xa1: {  	s7 =	simm.s32 $_size__tile_overlayer_lowered;
	s8 =	simm.s32 $_tile_overlayer_lowered  }
0xa2: {  	s23 =	simm.s32 $0x1BFF;
	s22 =	sshll.u32 s8, $0x1;
	s5 =	sadd.s32 s20, s19  }
0xa3: {  	s9 =	simm.s32 $0x0;
	s21 =	sshll.u32 s7, $0x1;
	s7 =	sadd.s32 s22, s5  }
0xa4: {  	[timem:s9], [sflag:s23] =	dma.local [hbm:s7], s21  }
0xa5: {  	_ =	swait.ge [sflag:s23], s21  }
0xa6: {  	s6 =	ssub.s32 $0x0, s21;
	[sflag:s23] =	ssyncset.done $0x0  }
0xa7: {  	[sflag:s23] =	ssyncadd.s32 s6;
	_ =	sdelay $0x1  }
0xa8: {  	s24 =	simm.s32 $0x1B8B  }
0xa9: {  	_ =	swait.ge [sflag:s24], $0x1  }
0xaa: {  	[sflag:s24] =	ssyncset.done $0x0  }
0xab: {  	s25 =	simm.s32 $0x1B8E;
	[sflag:s24] =	ssyncadd.s32 $0xFFFFFFFF  }
0xac: {  	s26 =	simm.s32 $execute0_lowered;
	[smem:$0x3FD2] =	sst s25  }
0xad: {  	s6 =	sshll.u32 s26, $0x1;
	_ =	strace $0x80000046;
	[dreg:$0x1] =	wrdreg $0xFFFFFFFF  }
0xae: {  	s28 =	simm.s32 $_size_execute0_lowered;
	s5 =	sadd.s32 s5, s6;
	[dreg:$0x0] =	wrdreg $0x0  }
0xaf: {  	s6 =	sshll.u32 s28, $0x1;
	[dreg:$0x2] =	wrdreg s5  }
0xb0: {  	[dreg:$0x3] =	wrdreg s6  }
0xb1: {  	[dreg:$0x4] =	wrdreg $0xC0  }
0xb2: {  	_ =	task [dreg:s9], $0x5FFFF  }
0xb3: {  	[dreg:$0x1] =	wrdreg $0xFFFFFFFF  }
0xb4: {  	[dreg:$0x0] =	wrdreg $0x60  }
0xb5: {  	[dreg:$0x2] =	wrdreg s16  }
0xb6: {  	[dreg:$0x3] =	wrdreg s4  }
0xb7: {  	[dreg:$0x4] =	wrdreg s17  }
0xb8: {  	[dreg:$0x5] =	wrdreg $0xAA800  }
0xb9: {  	[dreg:$0x6] =	wrdreg $0x9  }
0xba: {  	_ =	task.clear_ibuf [dreg:s9], $0x7FFFF;
	_ =	strace $0x90000046  }
0xbb: {  	s29 =	simm.s32 $0x9;
	_ =	strace $0x80000048  }
0xbc: {  	_ =	swait.ge [sflag:s29], $0x1  }
0xbd: {  	[sflag:s29] =	ssyncadd.s32 $0xFFFFFFFF  }
0xbe: {  	_ =	strace $0x90000048  }
0xbf: {  	_ =	sfence  }
0xc0: {  	s30 =	sld [smem:$0x0];
	_ =	sdelay $0x2  }
0xc1: {  	s31 =	sshll.u32 s1, $0xD;
	s1 =	sshrl.u32 s1, $0x2  }
0xc2: {  	s3 =	sand.u32 $0x4000, s31;
	s1 =	sadd.s32 s1, s30  }
0xc3: {  	s0 =	sor.u32 s3, s0;
	s1 =	sshll.u32 s1, $0x11  }
0xc4: {  	s0 =	sor.u32 s1, s0  }
0xc5: {  	s0 =	sadd.s32 $0x8F2B, s0  }
0xc6: {  	[sflag:s0] =	ssyncadd.remote.s32 $0x1  }
0xc7: {  	_ =	sfence.sel $0xFFFF  }
0xc8: {  	[dreg:$0x0] =	wrdreg $0xFFFFFFFF;
	(pc) =	sbr.abs _section_cstart, $3  }
0xc9: {  	[dreg:$0x1] =	wrdreg $0xFFFFFFFF  }
0xca: {  	_ =	task.clear_ibuf [dreg:s9], $0x2FFFF;
	_ =	strace $0x9FFFFFFF  }
0xcb: {  	(tm) =	ssettm $0x7FFFFFFF  }
tec
execute0_lowered:
.L_overlay_start_1:
0x0: {  	(tag) =	ssettag $0x1  }
0x1: {  	s5 =	rddreg [dreg:$0x0]  }
0x2: {  	s6 =	rddreg [dreg:$0x1]  }
0x3: {  	s4 =	rddreg [dreg:$0x2]  }
0x4: {  	s2 =	rddreg [dreg:$0x3];
	s1 =	stileid.u32  }
0x5: {  	s0 =	rddreg [dreg:$0x4];
	s3 =	simm.s32 $0x0;
	s8 =	srdreg.scid  }
0x6: {  	s7 =	smul.u32 $0x280, s1;
	[smem:$0x7FF] =	sst s3;
	s8 =	sand.u32 $0x1, s8  }
0x7: {  	s20 =	smul.u32 $0x14000, s1;
	s30 =	sadd.s32 $0x4B0, s6;
	p0 =	seq.s32 s1, $0xF  }
0x8: {  	p1 =	sne.s32 s1, $0xF;
	_ =	strace $0x80000047;
	s14 =	sshll.u32 s8, $0x6  }
0x9: {  	s29 =	ssub.s32 $0x2, s8;
	[dreg:$0xf] =	wrdreg s30;
	s8 =	sshll.u32 s8, $0x3  }
0xa: {  	s30 =	simm.s32 $0xA200;
	s9 =	sshrl.u32 s7, $0x3;
	s10 =	sadd.s32 $0x80, s7  }
0xb: {  	s11 =	sadd.s32 $0x100, s7;
	s13 =	sadd.s32 $0x180, s7;
	s7 =	sadd.s32 $0x200, s7  }
0xc: {  	s31 =	sshrl.u32 s29, $0x1;
	[dreg:$0x1f] =	wrdreg s30;
	s9 =	sadd.s32 s6, s9  }
0xd: {  	s16 =	sshrl.u32 s10, $0x3;
	s12 =	sshrl.u32 s11, $0x3;
	s18 =	sshrl.u32 s13, $0x3  }
0xe: {  	s21 =	sshrl.u32 s7, $0x3;
	s10 =	sshll.u32 s10, $0x7;
	s24 =	sshll.u32 s11, $0x7  }
0xf: {  	s26 =	sshll.u32 s13, $0x7;
	s11 =	sadd.s32 $0x4C0, s6;
	[dreg:$0x5] =	wrdreg s9  }
0x10: {  	s13 =	ssub.s32 s29, s31;
	s29 =	simm.s32 $0x4000;
	[dreg:$0x10] =	wrdreg s11  }
0x11: {  	s7 =	sshll.u32 s7, $0x7;
	s31 =	simm.s32 $0x8000;
	[dreg:$0x1e] =	wrdreg s29  }
0x12: {  	s9 =	sadd.s32 s6, s16;
	s17 =	sadd.s32 s6, s12;
	[smem:$0x7FC] =	sst s31  }
0x13: {  	s19 =	sadd.s32 s6, s18;
	s12 =	sor.u32 s14, s20;
	[dreg:$0x6] =	wrdreg s9  }
0x14: {  	s10 =	sor.u32 s14, s10;
	s25 =	sor.u32 s14, s24;
	[dreg:$0x7] =	wrdreg s17  }
0x15: {  	s7 =	sor.u32 s14, s7;
	s24 =	simm.s32 $0xA000;
	[dreg:$0x8] =	wrdreg s19  }
0x16: {  	s9 =	sadd.s32 s6, s21;
	s12 =	sshrl.u32 s12, $0x3;
	[dreg:$0x1a] =	wrdreg s24  }
0x17: {  	s10 =	sshrl.u32 s10, $0x3;
	[dreg:$0x9] =	wrdreg s9;
	s22 =	sadd.s32 s5, s12  }
0x18: {  	s7 =	sshrl.u32 s7, $0x3;
	s23 =	sadd.s32 s5, s10;
	[dreg:$0xa] =	wrdreg s22  }
0x19: {  	s11 =	simm.s32 $0x3;
	s7 =	sadd.s32 s5, s7;
	[dreg:$0xb] =	wrdreg s23  }
0x1a: {  	s17 =	sshll.u32 s1, $0xC;
	s12 =	sadd.s32 $0x4D0, s6;
	[dreg:$0xe] =	wrdreg s7  }
0x1b: {  	s21 =	sshll.u32 s1, $0xB;
	s6 =	sadd.s32 $0x4E0, s6;
	[dreg:$0x11] =	wrdreg s12  }
0x1c: {  	s9 =	sshrl.u32 s25, $0x3;
	s25 =	simm.s32 $0xA080;
	[dreg:$0x12] =	wrdreg s6  }
0x1d: {  	s10 =	sor.u32 s14, s26;
	s26 =	simm.s32 $0x2000;
	[dreg:$0x1b] =	wrdreg s25  }
0x1e: {  	s9 =	sadd.s32 s5, s9;
	s10 =	sshrl.u32 s10, $0x3;
	[dreg:$0x1c] =	wrdreg s26  }
0x1f: {  	s23 =	simm.s32 $0xA280;
	s6 =	simm.s32 $0x7;
	[dreg:$0xc] =	wrdreg s9  }
0x20: {  	s28 =	sadd.s32 s5, s10;
	s5 =	sadd.s32 s8, s5;
	[dreg:$0x19] =	wrdreg s23  }
0x21: {  	s7 =	simm.s32 $0x6;
	[dreg:$0xd] =	wrdreg s28;
	s15 =	sadd.s32 $0x25800, s5  }
0x22: {  	s9 =	sor.u32 s14, s17;
	s16 =	sadd.s32 $0x26000, s5;
	[dreg:$0x13] =	wrdreg s15  }
0x23: {  	s10 =	sadd.s32 $0x7800, s2;
	s18 =	sadd.s32 $0x26800, s5;
	[dreg:$0x14] =	wrdreg s16  }
0x24: {  	s5 =	sadd.s32 $0x27000, s5;
	s19 =	sshrl.u32 s9, $0x3;
	[dreg:$0x15] =	wrdreg s18  }
0x25: {  	s28 =	simm.s32 $0xA100;
	s9 =	simm.s32 $0x80;
	[dreg:$0x16] =	wrdreg s5  }
0x26: {  	s12 =	sshrl.u32 @p0 s10, $0x3;
	s10 =	simm.s32 $0x2;
	[dreg:$0x1d] =	wrdreg s28  }
0x27: {  	s20 =	sadd.s32 s4, s19;
	s4 =	sadd.s32 s8, s4;
	[smem:$0x7FD] =	sst s12  }
0x28: {  	s5 =	smax.u32 s13, $0x1;
	[dreg:$0x17] =	wrdreg s20;
	s22 =	sadd.s32 $0x1E00, s4  }
0x29: {  	v0 =	vimm.f32 $0.0e+00;
	s8 =	simm.s32 $0x1;
	s4 =	sadd.s32 s21, s2;
	[dreg:$0x18] =	wrdreg s22  }
.LBB2_1:
0x2a: {  	s12 =	rddreg [dreg:$0xf];
	s13 =	simm.s32 @p0 $0x0;
	s14 =	simm.s32 @p0 $0xA000  }
0x2b: {  	[tilespmem:s14], [sflag:$0x6] =	stream.linear.gather @p0 [hbm4b:s12+s13], $0x80, $0x38;
	[tilespmem:$0xB280] =	vst v63  }
0x2c: {  	s15 =	rddreg [dreg:$0x10];
	s12 =	simm.s32 @p0 $0xA080  }
0x2d: {  	[tilespmem:s12], [sflag:$0x6] =	stream.linear.gather @p0 [hbm4b:s15+s13], $0x80, $0x38;
	[tilespmem:$0xB280] =	vst v63  }
0x2e: {  	s14 =	rddreg [dreg:$0x11];
	s12 =	simm.s32 @p0 $0xA100  }
0x2f: {  	[tilespmem:s12], [sflag:$0x6] =	stream.linear.gather @p0 [hbm4b:s14+s13], $0x80, $0x38;
	[tilespmem:$0xB280] =	vst v63  }
0x30: {  	s15 =	rddreg [dreg:$0x12];
	s12 =	simm.s32 @p0 $0xA180  }
0x31: {  	[tilespmem:s12], [sflag:$0x6] =	stream.linear.gather @p0 [hbm4b:s15+s13], $0x10, $0x38;
	[tilespmem:$0xB280] =	vst v63  }
0x32: {  	s14 =	rddreg [dreg:$0x13];
	s12 =	simm.s32 @p0 $0x40;
	s15 =	simm.s32 @p0 $0x80  }
0x33: {  	[tilespmem:s13], [sflag:$0x1] =	stream.strided.gather @p0 [hbm4b:s14+s12], $0x2000, s15, s12, $0x38;
	[tilespmem:$0xB280] =	vst v63  }
0x34: {  	s16 =	rddreg [dreg:$0x14];
	s13 =	simm.s32 @p0 $0x2000  }
0x35: {  	[tilespmem:s13], [sflag:$0x2] =	stream.strided.gather @p0 [hbm4b:s16+s12], $0x2000, s15, s12, $0x38;
	[tilespmem:$0xB280] =	vst v63  }
0x36: {  	s14 =	rddreg [dreg:$0x15];
	s13 =	simm.s32 @p0 $0x4000  }
0x37: {  	[tilespmem:s13], [sflag:$0x3] =	stream.strided.gather @p0 [hbm4b:s14+s12], $0x2000, s15, s12, $0x38;
	[tilespmem:$0xB280] =	vst v63  }
0x38: {  	s16 =	rddreg [dreg:$0x16];
	s13 =	simm.s32 @p0 $0x6000  }
0x39: {  	[tilespmem:s13], [sflag:$0x4] =	stream.strided.gather @p0 [hbm4b:s16+s12], $0x400, s15, s12, $0x38;
	[tilespmem:$0xB280] =	vst v63  }
0x3a: {  	s14 =	rddreg [dreg:$0x5];
	s12 =	simm.s32 @!p0 $0x0;
	s13 =	simm.s32 @!p0 $0xA000  }
0x3b: {  	[tilespmem:s13], [sflag:$0x6] =	stream.linear.gather @!p0 [hbm4b:s14+s12], $0x80, $0x38;
	[tilespmem:$0xB280] =	vst v63  }
0x3c: {  	s15 =	rddreg [dreg:$0x6];
	s13 =	simm.s32 @!p0 $0xA080  }
0x3d: {  	[tilespmem:s13], [sflag:$0x6] =	stream.linear.gather @!p0 [hbm4b:s15+s12], $0x80, $0x38;
	[tilespmem:$0xB280] =	vst v63  }
0x3e: {  	s14 =	rddreg [dreg:$0x7];
	s13 =	simm.s32 @!p0 $0xA100  }
0x3f: {  	[tilespmem:s13], [sflag:$0x6] =	stream.linear.gather @!p0 [hbm4b:s14+s12], $0x80, $0x38;
	[tilespmem:$0xB280] =	vst v63  }
0x40: {  	s15 =	rddreg [dreg:$0x8];
	s13 =	simm.s32 @!p0 $0xA180  }
0x41: {  	[tilespmem:s13], [sflag:$0x6] =	stream.linear.gather @!p0 [hbm4b:s15+s12], $0x80, $0x38;
	[tilespmem:$0xB280] =	vst v63  }
0x42: {  	s14 =	rddreg [dreg:$0x9];
	s13 =	simm.s32 @!p0 $0xA200  }
0x43: {  	[tilespmem:s13], [sflag:$0x6] =	stream.linear.gather @!p0 [hbm4b:s14+s12], $0x80, $0x38;
	[tilespmem:$0xB280] =	vst v63  }
0x44: {  	s15 =	rddreg [dreg:$0xa];
	s13 =	simm.s32 @!p0 $0x40;
	s14 =	simm.s32 @!p0 $0x80  }
0x45: {  	[tilespmem:s12], [sflag:$0x1] =	stream.strided.gather @!p0 [hbm4b:s15+s13], $0x2000, s14, s13, $0x38;
	[tilespmem:$0xB280] =	vst v63  }
0x46: {  	s16 =	rddreg [dreg:$0xb];
	s12 =	simm.s32 @!p0 $0x2000  }
0x47: {  	[tilespmem:s12], [sflag:$0x2] =	stream.strided.gather @!p0 [hbm4b:s16+s13], $0x2000, s14, s13, $0x38;
	[tilespmem:$0xB280] =	vst v63  }
0x48: {  	s15 =	rddreg [dreg:$0xc];
	s12 =	simm.s32 @!p0 $0x4000  }
0x49: {  	[tilespmem:s12], [sflag:$0x3] =	stream.strided.gather @!p0 [hbm4b:s15+s13], $0x2000, s14, s13, $0x38;
	[tilespmem:$0xB280] =	vst v63  }
0x4a: {  	s16 =	rddreg [dreg:$0xd];
	s12 =	simm.s32 @!p0 $0x6000  }
0x4b: {  	[tilespmem:s12], [sflag:$0x4] =	stream.strided.gather @!p0 [hbm4b:s16+s13], $0x2000, s14, s13, $0x38;
	[tilespmem:$0xB280] =	vst v63  }
0x4c: {  	s15 =	rddreg [dreg:$0xe];
	s12 =	simm.s32 @!p0 $0x8000  }
0x4d: {  	[tilespmem:s12], [sflag:$0x5] =	stream.strided.gather @!p0 [hbm4b:s15+s13], $0x2000, s14, s13, $0x38;
	[tilespmem:$0xB280] =	vst v63  }
0x4e: {  	[tilespmem:$0xA280] =	vst v0  }
0x4f: {  	[tilespmem:$0xA290] =	vst v0  }
0x50: {  	[tilespmem:$0xA2A0] =	vst v0  }
0x51: {  	[tilespmem:$0xA2B0] =	vst v0  }
0x52: {  	[tilespmem:$0xA2C0] =	vst v0  }
0x53: {  	[tilespmem:$0xA2D0] =	vst v0  }
0x54: {  	[tilespmem:$0xA2E0] =	vst v0  }
0x55: {  	[tilespmem:$0xA2F0] =	vst v0  }
0x56: {  	[tilespmem:$0xA300] =	vst v0  }
0x57: {  	[tilespmem:$0xA310] =	vst v0  }
0x58: {  	[tilespmem:$0xA320] =	vst v0  }
0x59: {  	[tilespmem:$0xA330] =	vst v0  }
0x5a: {  	[tilespmem:$0xA340] =	vst v0  }
0x5b: {  	[tilespmem:$0xA350] =	vst v0  }
0x5c: {  	[tilespmem:$0xA360] =	vst v0  }
0x5d: {  	[tilespmem:$0xA370] =	vst v0  }
0x5e: {  	[tilespmem:$0xA380] =	vst v0  }
0x5f: {  	[tilespmem:$0xA390] =	vst v0  }
0x60: {  	[tilespmem:$0xA3A0] =	vst v0  }
0x61: {  	[tilespmem:$0xA3B0] =	vst v0  }
0x62: {  	[tilespmem:$0xA3C0] =	vst v0  }
0x63: {  	[tilespmem:$0xA3D0] =	vst v0  }
0x64: {  	[tilespmem:$0xA3E0] =	vst v0  }
0x65: {  	[tilespmem:$0xA3F0] =	vst v0  }
0x66: {  	[tilespmem:$0xA400] =	vst v0  }
0x67: {  	[tilespmem:$0xA410] =	vst v0  }
0x68: {  	[tilespmem:$0xA420] =	vst v0  }
0x69: {  	[tilespmem:$0xA430] =	vst v0  }
0x6a: {  	[tilespmem:$0xA440] =	vst v0  }
0x6b: {  	[tilespmem:$0xA450] =	vst v0  }
0x6c: {  	[tilespmem:$0xA460] =	vst v0  }
0x6d: {  	[tilespmem:$0xA470] =	vst v0  }
0x6e: {  	[tilespmem:$0xA480] =	vst v0  }
0x6f: {  	[tilespmem:$0xA490] =	vst v0  }
0x70: {  	[tilespmem:$0xA4A0] =	vst v0  }
0x71: {  	[tilespmem:$0xA4B0] =	vst v0  }
0x72: {  	[tilespmem:$0xA4C0] =	vst v0  }
0x73: {  	[tilespmem:$0xA4D0] =	vst v0  }
0x74: {  	[tilespmem:$0xA4E0] =	vst v0  }
0x75: {  	[tilespmem:$0xA4F0] =	vst v0  }
0x76: {  	[tilespmem:$0xA500] =	vst v0  }
0x77: {  	[tilespmem:$0xA510] =	vst v0  }
0x78: {  	[tilespmem:$0xA520] =	vst v0  }
0x79: {  	[tilespmem:$0xA530] =	vst v0  }
0x7a: {  	[tilespmem:$0xA540] =	vst v0  }
0x7b: {  	[tilespmem:$0xA550] =	vst v0  }
0x7c: {  	[tilespmem:$0xA560] =	vst v0  }
0x7d: {  	[tilespmem:$0xA570] =	vst v0  }
0x7e: {  	[tilespmem:$0xA580] =	vst v0  }
0x7f: {  	[tilespmem:$0xA590] =	vst v0  }
0x80: {  	[tilespmem:$0xA5A0] =	vst v0  }
0x81: {  	[tilespmem:$0xA5B0] =	vst v0  }
0x82: {  	[tilespmem:$0xA5C0] =	vst v0  }
0x83: {  	[tilespmem:$0xA5D0] =	vst v0  }
0x84: {  	[tilespmem:$0xA5E0] =	vst v0  }
0x85: {  	[tilespmem:$0xA5F0] =	vst v0  }
0x86: {  	[tilespmem:$0xA600] =	vst v0  }
0x87: {  	[tilespmem:$0xA610] =	vst v0  }
0x88: {  	[tilespmem:$0xA620] =	vst v0  }
0x89: {  	[tilespmem:$0xA630] =	vst v0  }
0x8a: {  	[tilespmem:$0xA640] =	vst v0  }
0x8b: {  	[tilespmem:$0xA650] =	vst v0  }
0x8c: {  	[tilespmem:$0xA660] =	vst v0  }
0x8d: {  	[tilespmem:$0xA670] =	vst v0  }
0x8e: {  	[tilespmem:$0xA680] =	vst v0  }
0x8f: {  	[tilespmem:$0xA690] =	vst v0  }
0x90: {  	[tilespmem:$0xA6A0] =	vst v0  }
0x91: {  	[tilespmem:$0xA6B0] =	vst v0  }
0x92: {  	[tilespmem:$0xA6C0] =	vst v0  }
0x93: {  	[tilespmem:$0xA6D0] =	vst v0  }
0x94: {  	[tilespmem:$0xA6E0] =	vst v0  }
0x95: {  	[tilespmem:$0xA6F0] =	vst v0  }
0x96: {  	[tilespmem:$0xA700] =	vst v0  }
0x97: {  	[tilespmem:$0xA710] =	vst v0  }
0x98: {  	[tilespmem:$0xA720] =	vst v0  }
0x99: {  	[tilespmem:$0xA730] =	vst v0  }
0x9a: {  	[tilespmem:$0xA740] =	vst v0  }
0x9b: {  	[tilespmem:$0xA750] =	vst v0  }
0x9c: {  	[tilespmem:$0xA760] =	vst v0  }
0x9d: {  	[tilespmem:$0xA770] =	vst v0  }
0x9e: {  	[tilespmem:$0xA780] =	vst v0  }
0x9f: {  	[tilespmem:$0xA790] =	vst v0  }
0xa0: {  	[tilespmem:$0xA7A0] =	vst v0  }
0xa1: {  	[tilespmem:$0xA7B0] =	vst v0  }
0xa2: {  	[tilespmem:$0xA7C0] =	vst v0  }
0xa3: {  	[tilespmem:$0xA7D0] =	vst v0  }
0xa4: {  	[tilespmem:$0xA7E0] =	vst v0  }
0xa5: {  	[tilespmem:$0xA7F0] =	vst v0  }
0xa6: {  	[tilespmem:$0xA800] =	vst v0  }
0xa7: {  	[tilespmem:$0xA810] =	vst v0  }
0xa8: {  	[tilespmem:$0xA820] =	vst v0  }
0xa9: {  	[tilespmem:$0xA830] =	vst v0  }
0xaa: {  	[tilespmem:$0xA840] =	vst v0  }
0xab: {  	[tilespmem:$0xA850] =	vst v0  }
0xac: {  	[tilespmem:$0xA860] =	vst v0  }
0xad: {  	[tilespmem:$0xA870] =	vst v0  }
0xae: {  	[tilespmem:$0xA880] =	vst v0  }
0xaf: {  	[tilespmem:$0xA890] =	vst v0  }
0xb0: {  	[tilespmem:$0xA8A0] =	vst v0  }
0xb1: {  	[tilespmem:$0xA8B0] =	vst v0  }
0xb2: {  	[tilespmem:$0xA8C0] =	vst v0  }
0xb3: {  	[tilespmem:$0xA8D0] =	vst v0  }
0xb4: {  	[tilespmem:$0xA8E0] =	vst v0  }
0xb5: {  	[tilespmem:$0xA8F0] =	vst v0  }
0xb6: {  	[tilespmem:$0xA900] =	vst v0  }
0xb7: {  	[tilespmem:$0xA910] =	vst v0  }
0xb8: {  	[tilespmem:$0xA920] =	vst v0  }
0xb9: {  	[tilespmem:$0xA930] =	vst v0  }
0xba: {  	[tilespmem:$0xA940] =	vst v0  }
0xbb: {  	[tilespmem:$0xA950] =	vst v0  }
0xbc: {  	[tilespmem:$0xA960] =	vst v0  }
0xbd: {  	[tilespmem:$0xA970] =	vst v0  }
0xbe: {  	[tilespmem:$0xA980] =	vst v0  }
0xbf: {  	[tilespmem:$0xA990] =	vst v0  }
0xc0: {  	[tilespmem:$0xA9A0] =	vst v0  }
0xc1: {  	[tilespmem:$0xA9B0] =	vst v0  }
0xc2: {  	[tilespmem:$0xA9C0] =	vst v0  }
0xc3: {  	[tilespmem:$0xA9D0] =	vst v0  }
0xc4: {  	[tilespmem:$0xA9E0] =	vst v0  }
0xc5: {  	[tilespmem:$0xA9F0] =	vst v0  }
0xc6: {  	[tilespmem:$0xAA00] =	vst v0  }
0xc7: {  	[tilespmem:$0xAA10] =	vst v0  }
0xc8: {  	[tilespmem:$0xAA20] =	vst v0  }
0xc9: {  	[tilespmem:$0xAA30] =	vst v0  }
0xca: {  	[tilespmem:$0xAA40] =	vst v0  }
0xcb: {  	[tilespmem:$0xAA50] =	vst v0  }
0xcc: {  	[tilespmem:$0xAA60] =	vst v0  }
0xcd: {  	v1 =	vimm.s32 @!p1 $0x1FF;
	[tilespmem:$0xAA70] =	vst v0  }
0xce: {  	[tilespmem:$0xA190] =	vst @!p1 v1  }
0xcf: {  	[tilespmem:$0xA1A0] =	vst @!p1 v1  }
0xd0: {  	[tilespmem:$0xA1B0] =	vst @!p1 v1  }
0xd1: {  	[tilespmem:$0xA1C0] =	vst @!p1 v1  }
0xd2: {  	[tilespmem:$0xA1D0] =	vst @!p1 v1  }
0xd3: {  	[tilespmem:$0xA1E0] =	vst @!p1 v1  }
0xd4: {  	[tilespmem:$0xA1F0] =	vst @!p1 v1  }
0xd5: {  	[tilespmem:$0xA200] =	vst @!p1 v1  }
0xd6: {  	[tilespmem:$0xA210] =	vst @!p1 v1  }
0xd7: {  	[tilespmem:$0xA220] =	vst @!p1 v1  }
0xd8: {  	[tilespmem:$0xA230] =	vst @!p1 v1  }
0xd9: {  	[tilespmem:$0xA240] =	vst @!p1 v1  }
0xda: {  	[tilespmem:$0xA250] =	vst @!p1 v1  }
0xdb: {  	[tilespmem:$0xA260] =	vst @!p1 v1  }
0xdc: {  	s23 =	rddreg [dreg:$0x19];
	[tilespmem:$0xA270] =	vst @!p1 v1  }
0xdd: {  	[spmem:s4] =	stream.linear.scatter [tilespmem:s23], [sflag:$0x7], $0x800, $0x38;
	[tilespmem:$0xB280] =	vst v63  }
0xde: {  	_ =	swait.ge [sflag:s6], $0x800  }
0xdf: {  	[sflag:s6] =	ssyncset.done $0x0  }
0xe0: {  	[sflag:s6] =	ssyncadd.s32 $0xFFFFF800  }
0xe1: {  	[bflag:$0x0] =	sbarrier.arrive $0xFFFF  }
0xe2: {  	_ =	swait.ge [sflag:s7], $0x80  }
0xe3: {  	[sflag:s7] =	ssyncset.done $0x0  }
0xe4: {  	[sflag:s7] =	ssyncadd.s32 $0xFFFFFF80  }
0xe5: {  	_ =	swait.ge [sflag:s7], $0x80  }
0xe6: {  	[sflag:s7] =	ssyncset.done $0x0  }
0xe7: {  	[sflag:s7] =	ssyncadd.s32 $0xFFFFFF80  }
0xe8: {  	_ =	swait.ge [sflag:s7], $0x80  }
0xe9: {  	[sflag:s7] =	ssyncset.done $0x0  }
0xea: {  	s12 =	simm.s32 @p0 $0x6;
	[sflag:s7] =	ssyncadd.s32 $0xFFFFFF80  }
0xeb: {  	_ =	swait.ge @p0 [sflag:s12], $0x10  }
0xec: {  	[sflag:s12] =	ssyncset.done @p0 $0x0  }
0xed: {  	[sflag:s12] =	ssyncadd.s32 @p0 $0xFFFFFFF0;
	s12 =	simm.s32 @!p0 $0x6  }
0xee: {  	_ =	swait.ge @!p0 [sflag:s12], $0x80  }
0xef: {  	[sflag:s12] =	ssyncset.done @!p0 $0x0  }
0xf0: {  	[sflag:s12] =	ssyncadd.s32 @!p0 $0xFFFFFF80  }
0xf1: {  	_ =	swait.ge @!p0 [sflag:s12], $0x80  }
0xf2: {  	[sflag:s12] =	ssyncset.done @!p0 $0x0  }
0xf3: {  	[sflag:s12] =	ssyncadd.s32 @!p0 $0xFFFFFF80  }
0xf4: {  	_ =	swait.ge [sflag:s8], $0x2000  }
0xf5: {  	[sflag:s8] =	ssyncset.done $0x0  }
0xf6: {  	s24 =	rddreg [dreg:$0x1a];
	[sflag:s8] =	ssyncadd.s32 $0xFFFFE000  }
0xf7: {  	[spmem:s2] =	stream.indirect.scatter.add.f32 [tilespmem:s3], [sflag:$0x6], $0x40, s24, s9, $0xb8;
	[tilespmem:$0xB280] =	vst v63  }
0xf8: {  	_ =	swait.ge [sflag:s10], $0x2000  }
0xf9: {  	s25 =	rddreg [dreg:$0x1b];
	[sflag:s10] =	ssyncset.done $0x0  }
0xfa: {  	s26 =	rddreg [dreg:$0x1c];
	[sflag:s10] =	ssyncadd.s32 $0xFFFFE000  }
0xfb: {  	[spmem:s2] =	stream.indirect.scatter.add.f32 [tilespmem:s26], [sflag:$0x6], $0x40, s25, s9, $0xb8;
	[tilespmem:$0xB280] =	vst v63  }
0xfc: {  	_ =	swait.ge [sflag:s11], $0x2000  }
0xfd: {  	s28 =	rddreg [dreg:$0x1d];
	[sflag:s11] =	ssyncset.done $0x0  }
0xfe: {  	s12 =	simm.s32 @p1 $0x4;
	s29 =	rddreg [dreg:$0x1e];
	[sflag:s11] =	ssyncadd.s32 $0xFFFFE000  }
0xff: {  	[spmem:s2] =	stream.indirect.scatter.add.f32 [tilespmem:s29], [sflag:$0x6], $0x40, s28, s9, $0xb8;
	[tilespmem:$0xB280] =	vst v63  }
0x100: {  	_ =	swait.ge @p1 [sflag:s12], $0x2000  }
0x101: {  	s13 =	simm.s32 @p1 $0xA180;
	[sflag:s12] =	ssyncset.done @p1 $0x0  }
0x102: {  	s14 =	simm.s32 @p1 $0x6000;
	[sflag:s12] =	ssyncadd.s32 @p1 $0xFFFFE000;
	s12 =	simm.s32 @p1 $0x80  }
0x103: {  	[spmem:s2] =	stream.indirect.scatter.add.f32 @p1 [tilespmem:s14], [sflag:$0x6], $0x40, s13, s12, $0xb8;
	[tilespmem:$0xB280] =	vst v63  }
0x104: {  	s12 =	simm.s32 @p1 $0x5  }
0x105: {  	_ =	swait.ge @p1 [sflag:s12], $0x2000  }
0x106: {  	[sflag:s12] =	ssyncset.done @p1 $0x0  }
0x107: {  	[sflag:s12] =	ssyncadd.s32 @p1 $0xFFFFE000;
	s12 =	simm.s32 @!p1 $0x4  }
0x108: {  	_ =	swait.ge @!p1 [sflag:s12], $0x400  }
0x109: {  	s15 =	simm.s32 @!p1 $0x6000;
	s14 =	simm.s32 @!p1 $0xA180;
	[sflag:s12] =	ssyncset.done @!p1 $0x0  }
0x10a: {  	s31 =	sld [smem:$0x7FC];
	[sflag:s12] =	ssyncadd.s32 @!p1 $0xFFFFFC00;
	s12 =	simm.s32 @!p1 $0x80  }
0x10b: {  	[spmem:s2] =	stream.indirect.scatter.add.f32 @!p1 [tilespmem:s15], [sflag:$0x6], $0x40, s14, s12, $0xb8;
	[tilespmem:$0xB280] =	vst v63  }
0x10c: {  	s30 =	rddreg [dreg:$0x1f]  }
0x10d: {  	[spmem:s2] =	stream.indirect.scatter.add.f32 [tilespmem:s31], [sflag:$0x6], $0x40, s30, s9, $0xb8;
	[tilespmem:$0xB280] =	vst v63  }
0x10e: {  	_ =	swait.ge [sflag:s7], $0x2000  }
0x10f: {  	[sflag:s7] =	ssyncset.done $0x0  }
0x110: {  	[sflag:s7] =	ssyncadd.s32 $0xFFFFE000  }
0x111: {  	_ =	swait.ge [sflag:s7], $0x2000  }
0x112: {  	[sflag:s7] =	ssyncset.done $0x0  }
0x113: {  	[sflag:s7] =	ssyncadd.s32 $0xFFFFE000  }
0x114: {  	_ =	swait.ge [sflag:s7], $0x2000  }
0x115: {  	[sflag:s7] =	ssyncset.done $0x0  }
0x116: {  	[sflag:s7] =	ssyncadd.s32 $0xFFFFE000  }
0x117: {  	_ =	swait.ge [sflag:s7], $0x2000  }
0x118: {  	[sflag:s7] =	ssyncset.done $0x0  }
0x119: {  	[sflag:s7] =	ssyncadd.s32 $0xFFFFE000  }
0x11a: {  	_ =	swait.ge [sflag:s7], $0x2000  }
0x11b: {  	[sflag:s7] =	ssyncset.done $0x0  }
0x11c: {  	[sflag:s7] =	ssyncadd.s32 $0xFFFFE000  }
0x11d: {  	[bflag:$0x0] =	sbarrier.arrive $0xFFFF  }
0x11e: {  	s13 =	sld [smem:$0x7FD]  }
0x11f: {  	s17 =	simm.s32 @p0 $0x1FC7;
	s5 =	sadd.s32 $0xFFFFFFFF, s5;
	s16 =	simm.s32 @p0 $0x8  }
0x120: {  	s14 =	simm.s32 @p0 $0x1;
	s15 =	simm.s32 @p0 $0x10;
	s12 =	rddreg [dreg:$0x18]  }
0x121: {  	[hbm:s12@s15], [sflag:s17] =	dma.strided @p0 [spmem:s13@s16], $0xA0, s14, $0x8   }
0x122: {  	p2 =	sne.s32 s5, $0x0;
	s12 =	simm.s32 @p0 $0x7;
	s13 =	sshll.u32 @!p0 s1, $0x6  }
0x123: {  	s15 =	simm.s32 @!p0 $0x1;
	s16 =	simm.s32 @!p0 $0x10;
	_ =	swait.ge @p0 [sflag:s12], $0xA0  }
0x124: {  	s17 =	simm.s32 @!p0 $0x8;
	[sflag:s12] =	ssyncset.done @p0 $0x0;
	s14 =	rddreg [dreg:$0x17]  }
0x125: {  	[sflag:s12] =	ssyncadd.s32 @p0 $0xFFFFFF60;
	s12 =	sor.u32 @!p0 $0x1C07, s13;
	s13 =	sshrl.u32 @!p0 s4, $0x3  }
0x126: {  	[hbm:s14@s16], [sflag:s12] =	dma.strided @!p0 [spmem:s13@s17], $0x100, s15, $0x8   }
.Ltmp0:
0x127: {  	_ = 	snop;
	(pc) =	sbr.rel @p2 .LBB2_1-.Ltmp0, $4  }
0x128: {  	s12 =	simm.s32 @!p0 $0x7  }
0x129: {  	_ =	swait.ge @!p0 [sflag:s12], $0x100  }
0x12a: {  	[sflag:s12] =	ssyncset.done @!p0 $0x0  }
0x12b: {  	[sflag:s12] =	ssyncadd.s32 @!p0 $0xFFFFFF00  }
0x12c: {  	_ =	sfence.sel $0x180000  }
0x12d: {  	[bflag:$0x0] =	sbarrier.arrive $0xFFFF  }
0x12e: {  	p0 =	sne.s32 s1, $0x0;
	_ =	strace $0x90000047  }
0x12f: {  	s0 =	sadd.s32 @!p0 $0x100000, s0;
	[bflag:$0x2] =	sbarrier.arrive $0xFFFF  }
0x130: {  	[sflag:s0] =	ssyncadd.tile.s32 @!p0 $0x1;
	_ =	shalt  }
.Lfunc_end2:
_tile_overlayer_lowered:
.L_overlay_start_2:
0x131: {  	(tag) =	ssettag $0x2  }
0x132: {  	s0 =	rddreg [dreg:$0x0];
	s2 =	stileid.u32  }
0x133: {  	s1 =	rddreg [dreg:$0x1];
	p0 =	sne.s32 s2, $0x0  }
0x134: {  	s3 =	rddreg [dreg:$0x2];
	[bflag:$0x3] =	sbarrier.arrive $0xFFFF;
	s2 =	simm.s32 @!p0 $0x1C07  }
0x135: {  	[timem:s3], [sflag:s2] =	dma.local @!p0 [hbm:s0], s1  }
0x136: {  	s0 =	simm.s32 @!p0 $0x7  }
0x137: {  	_ =	swait.ge @!p0 [sflag:s0], s1  }
0x138: {  	s1 =	ssub.s32 @!p0 $0x0, s1;
	[sflag:s0] =	ssyncset.done @!p0 $0x0  }
0x139: {  	[sflag:s0] =	ssyncadd.s32 @!p0 s1  }
0x13a: {  	[bflag:$0x3] =	sbarrier.arrive $0xFFFF  }
0x13b: {  	_ =	shalt  }

</sc_bundles>
